<compile_context>
chip_gen: v7x
topology: tpu7x:2x2x1
jax: 0.10.2.dev20260603
libtpu: 0.0.44.dev20260713+nightly
codegen_flags: <defaults>
</compile_context>

<pallas_src>
import functools

import jax
import jax.numpy as jnp
from jax import lax
from jax.experimental import pallas as pl
from jax.experimental.pallas import tpu as pltpu
from jax.experimental.pallas import tpu_sc as plsc

N, E, B, H = 10000, 320000, 256, 128

BK = 2560
NBK_ALL = E // BK
NBK_SC = 75
E_SC = NBK_SC * BK
NBK = NBK_ALL - NBK_SC

LN = 16
NC, NS = 2, 16
NW = NC * NS
EPW = E_SC // NW
CHUNK = 80
NCH = EPW // CHUNK
NBUF = 4

_mesh = plsc.VectorSubcoreMesh(core_axis_name="c", subcore_axis_name="s")


@functools.partial(
    pl.kernel,
    out_type=(jax.ShapeDtypeStruct((NC, B, H), jnp.float32),
              jax.ShapeDtypeStruct((NW, B * LN), jnp.float32)),
    mesh=_mesh,
    scratch_types=[
        pltpu.VMEM((N,), jnp.int32),
        pltpu.VMEM((EPW,), jnp.int32),
        pltpu.VMEM((NBUF, CHUNK, H), jnp.float32),
        pltpu.VMEM((NBUF, CHUNK), jnp.int32),
        pltpu.VMEM_SHARED((B, H), jnp.float32),
        pltpu.VMEM((B * LN,), jnp.float32),
        [pltpu.SemaphoreType.DMA] * NBUF,
        [pltpu.SemaphoreType.DMA] * NBUF,
        pltpu.SemaphoreType.DMA,
    ],
    compiler_params=pltpu.CompilerParams(needs_layout_passes=False),
)
def _sc_edge_pool(row_hbm, batch_hbm, edge_hbm, zsum_hbm,
                  sums_hbm, cnts_hbm,
                  batch_v, row_v, ebuf, idx_v, acc_v, cnt_v,
                  dsem, ssem, gsem):
    sid = lax.axis_index("s")
    cid = lax.axis_index("c")
    wid = sid * NC + cid
    base = wid * EPW

    pltpu.async_copy(batch_hbm, batch_v, gsem)
    pltpu.async_copy(row_hbm.at[pl.ds(base, EPW)], row_v, gsem)

    @pl.when(sid == 0)
    def _zero_shared():
        pltpu.sync_copy(zsum_hbm, acc_v)

    zeros16 = jnp.zeros((LN,), jnp.float32)
    ones16 = jnp.ones((LN,), jnp.float32)
    lane_iota = lax.iota(jnp.int32, LN)

    def _zero_cnt(i, carry):
        for k in range(16):
            cnt_v[pl.ds(i * 256 + k * LN, LN)] = zeros16
        return carry
    lax.fori_loop(0, (B * LN) // 256, _zero_cnt, 0)

    pltpu.make_async_copy(batch_hbm, batch_v, gsem).wait()
    pltpu.make_async_copy(row_hbm.at[pl.ds(base, EPW)], row_v, gsem).wait()
    plsc.subcore_barrier()

    def _chunk_src(c):
        return edge_hbm.at[pl.ds(base + c * CHUNK, CHUNK), :]

    def _fill_idx(c, s):
        for k in range(CHUNK // LN):
            r16 = row_v[pl.ds(c * CHUNK + k * LN, LN)]
            idx_v[s, pl.ds(k * LN, LN)] = plsc.load_gather(batch_v, [r16])

    def _scatter_drain(s):
        pltpu.make_async_copy(ebuf.at[s], acc_v.at[idx_v.at[s]],
                              ssem[s]).wait()

    pltpu.async_copy(_chunk_src(0), ebuf.at[0], dsem[0])
    pltpu.async_copy(_chunk_src(1), ebuf.at[1], dsem[1])

    def _turn(cc, carry):
        for s in range(NBUF):
            c = cc * NBUF + s

            @pl.when(c < NCH)
            def _process():
                pltpu.make_async_copy(_chunk_src(0), ebuf.at[s],
                                      dsem[s]).wait()
                _fill_idx(c, s)
                pltpu.async_copy(ebuf.at[s], acc_v.at[idx_v.at[s]], ssem[s],
                                 add=True)
                for k in range(CHUNK // LN):
                    sv = idx_v[s, pl.ds(k * LN, LN)]
                    tgt = sv * LN + lane_iota
                    plsc.addupdate_scatter(cnt_v, [tgt], ones16)

            sp = (s + 2) % NBUF

            @pl.when(c + 2 < NCH)
            def _prefetch():
                @pl.when(c >= 2)
                def _drain_prev():
                    _scatter_drain(sp)
                pltpu.async_copy(_chunk_src(c + 2), ebuf.at[sp], dsem[sp])
        return carry
    lax.fori_loop(0, (NCH + NBUF - 1) // NBUF, _turn, 0)

    for sf in range(NBUF):
        _scatter_drain(sf)
    plsc.subcore_barrier()

    @pl.when(sid == 0)
    def _out_sums():
        pltpu.sync_copy(acc_v, sums_hbm.at[cid])
    pltpu.sync_copy(cnt_v, cnts_hbm.at[wid])


def _tc_x_body(x_ref, batch_ref, row_ref, e_ref, xm_ref, es_ref, ec_ref,
               starts_scr, hist_scr, acc_scr, cnt_scr):
    i = pl.program_id(0)

    @pl.when(i == 0)
    def _init():
        b_iota = jax.lax.broadcasted_iota(jnp.int32, (B, N), 0)
        hist_col = jnp.sum(jnp.equal(batch_ref[...], b_iota).astype(jnp.float32),
                           axis=1, keepdims=True)
        tri = (jax.lax.broadcasted_iota(jnp.int32, (B, B), 0)
               > jax.lax.broadcasted_iota(jnp.int32, (B, B), 1)).astype(jnp.float32)
        starts_col = jnp.dot(tri, hist_col, preferred_element_type=jnp.float32)
        starts_scr[...] = jnp.broadcast_to(starts_col.astype(jnp.int32), (B, H))
        hist_scr[...] = jnp.broadcast_to(hist_col.astype(jnp.int32), (B, H))
        acc_scr[...] = jnp.zeros((B, H), jnp.float32)
        cnt_scr[...] = jnp.zeros((B, H), jnp.float32)

    s_col = starts_scr[:, 0:1]
    h_col = hist_scr[:, 0:1]
    e_col = s_col + h_col

    row2 = row_ref[...].reshape(1, BK)
    mask = (row2 >= s_col) & (row2 < e_col)
    onehot = mask.astype(jnp.bfloat16)
    eblk = e_ref[...].astype(jnp.bfloat16)
    acc_scr[...] += jnp.dot(onehot, eblk, preferred_element_type=jnp.float32)
    cnt_blk = jnp.sum(mask.astype(jnp.float32), axis=1, keepdims=True)
    cnt_scr[...] += jnp.broadcast_to(cnt_blk, (B, H))

    @pl.when(i == NBK - 1)
    def _finish():
        n_iota = jax.lax.broadcasted_iota(jnp.int32, (B, N), 1)
        maskx = ((n_iota >= s_col) & (n_iota < e_col)).astype(jnp.float32)
        sum_x = jnp.dot(maskx, x_ref[...], preferred_element_type=jnp.float32)
        hist_f = h_col.astype(jnp.float32)
        xm_ref[...] = sum_x / jnp.maximum(hist_f, 1.0)
        es_ref[...] = acc_scr[...]
        ec_ref[...] = cnt_scr[...]


def _tc_x(x, batch2, row3, edge_attr):
    cmap = lambda i: (0, 0)
    return pl.pallas_call(
        _tc_x_body,
        grid=(NBK,),
        in_specs=[
            pl.BlockSpec((N, H), cmap),
            pl.BlockSpec((1, N), cmap),
            pl.BlockSpec((1, 1, BK), lambda i: (i + NBK_SC, 0, 0)),
            pl.BlockSpec((BK, H), lambda i: (i + NBK_SC, 0)),
        ],
        out_specs=[pl.BlockSpec((B, H), cmap)] * 3,
        out_shape=[jax.ShapeDtypeStruct((B, H), jnp.float32)] * 3,
        scratch_shapes=[
            pltpu.VMEM((B, H), jnp.int32),
            pltpu.VMEM((B, H), jnp.int32),
            pltpu.VMEM((B, H), jnp.float32),
            pltpu.VMEM((B, H), jnp.float32),
        ],
        compiler_params=pltpu.CompilerParams(
            dimension_semantics=("arbitrary",),
        ),
    )(x, batch2, row3, edge_attr)


def _tc_combine_body(ps_ref, pc_ref, es_ref, ec_ref, xm_ref, u_ref, w1_ref,
                     b1_ref, w2_ref, b2_ref, out_ref):
    dn = (((1,), (1,)), ((), ()))
    e_sum = jnp.sum(ps_ref[...], axis=0) + es_ref[...]
    cnt_col = (jnp.sum(jnp.sum(pc_ref[...], axis=0), axis=1,
                       keepdims=True) + ec_ref[:, 0:1])
    e_mean = e_sum / jnp.maximum(cnt_col, 1.0)
    cat = jnp.concatenate([u_ref[...], xm_ref[...], e_mean], axis=1)
    h1 = jax.lax.dot_general(cat, w1_ref[...], dn,
                             preferred_element_type=jnp.float32) + b1_ref[...]
    h1 = jnp.maximum(h1, 0.0)
    out_ref[...] = jax.lax.dot_general(h1, w2_ref[...], dn,
                                       preferred_element_type=jnp.float32) + b2_ref[...]


def _tc_combine(part_sums, part_cnts, e_tc_sum, e_tc_cnt, x_mean, u, W1, b1r,
                W2, b2r):
    return pl.pallas_call(
        _tc_combine_body,
        grid=(1,),
        in_specs=[
            pl.BlockSpec((NC, B, H), lambda i: (0, 0, 0)),
            pl.BlockSpec((NW, B, LN), lambda i: (0, 0, 0)),
            pl.BlockSpec((B, H), lambda i: (0, 0)),
            pl.BlockSpec((B, H), lambda i: (0, 0)),
            pl.BlockSpec((B, H), lambda i: (0, 0)),
            pl.BlockSpec((B, H), lambda i: (0, 0)),
            pl.BlockSpec((H, 3 * H), lambda i: (0, 0)),
            pl.BlockSpec((1, H), lambda i: (0, 0)),
            pl.BlockSpec((H, H), lambda i: (0, 0)),
            pl.BlockSpec((1, H), lambda i: (0, 0)),
        ],
        out_specs=pl.BlockSpec((B, H), lambda i: (0, 0)),
        out_shape=jax.ShapeDtypeStruct((B, H), jnp.float32),
        compiler_params=pltpu.CompilerParams(
            dimension_semantics=("arbitrary",),
        ),
    )(part_sums, part_cnts, e_tc_sum, e_tc_cnt, x_mean, u, W1, b1r, W2, b2r)


def kernel(x, edge_index, edge_attr, u, batch, W1, b1, W2, b2):
    row = edge_index[0]
    zsum = jnp.zeros((B, H), jnp.float32)
    part_sums, part_cnts = _sc_edge_pool(row, batch, edge_attr, zsum)
    x_mean, e_tc_sum, e_tc_cnt = _tc_x(x, batch.reshape(1, N),
                                       row.reshape(NBK_ALL, 1, BK), edge_attr)
    return _tc_combine(part_sums, part_cnts.reshape(NW, B, LN), e_tc_sum,
                       e_tc_cnt, x_mean, u, W1, b1.reshape(1, H), W2,
                       b2.reshape(1, H))

# --- scband reference (transcript-rebuilt; emitter-appended) ---
"""Pipeline reference for scband-global-model-83760452207463 (READ-ONLY COPY).

The authoritative reference and input builder live on the scoring server;
editing this copy changes nothing except your own understanding.
"""

import jax, jax.numpy as jnp
import numpy as np

N, E, B, H = 10000, 320000, 256, 128


def setup_inputs(seed: int = 0) -> dict:
    key = jax.random.key(seed)
    ks = jax.random.split(key, 9)
    x = jax.random.normal(ks[0], (N, H), dtype=jnp.float32)
    edge_index = jax.random.randint(ks[1], (2, E), 0, N, dtype=jnp.int32)
    edge_attr = jax.random.normal(ks[2], (E, H), dtype=jnp.float32)
    u = jax.random.normal(ks[3], (B, H), dtype=jnp.float32)
    batch = jnp.sort(jax.random.randint(ks[4], (N,), 0, B, dtype=jnp.int32))
    # mlp params: Linear(3H -> H), ReLU, Linear(H -> H)
    lim1 = 1.0 / np.sqrt(3 * H)
    lim2 = 1.0 / np.sqrt(H)
    W1 = jax.random.uniform(ks[5], (H, 3 * H), dtype=jnp.float32, minval=-lim1, maxval=lim1)
    b1 = jax.random.uniform(ks[6], (H,), dtype=jnp.float32, minval=-lim1, maxval=lim1)
    W2 = jax.random.uniform(ks[7], (H, H), dtype=jnp.float32, minval=-lim2, maxval=lim2)
    b2 = jax.random.uniform(ks[8], (H,), dtype=jnp.float32, minval=-lim2, maxval=lim2)
    return {"x": x, "edge_index": edge_index, "edge_attr": edge_attr, "u": u, "batch": batch,
            "W1": W1, "b1": b1, "W2": W2, "b2": b2}


def _scatter_mean(vals, seg_ids, num_segments):
    s = jax.ops.segment_sum(vals, seg_ids, num_segments=num_segments)
    cnt = jax.ops.segment_sum(jnp.ones((vals.shape[0], 1), dtype=vals.dtype), seg_ids, num_segments=num_segments)
    return s / jnp.maximum(cnt, 1.0)


def reference(x, edge_index, edge_attr, u, batch, W1, b1, W2, b2):
    num_graphs = u.shape[0]
    x_pool = _scatter_mean(x, batch, num_graphs)
    row = edge_index[0]
    edge_batch = jnp.take(batch, row, axis=0)
    e_pool = _scatter_mean(edge_attr, edge_batch, num_graphs)
    out = jnp.concatenate([u, x_pool, e_pool], axis=-1)
    h = jax.nn.relu(out @ W1.T + b1)
    return h @ W2.T + b2

if __name__ == "__main__":
    import jax
    _d = setup_inputs()
    print(jax.jit(kernel)(*tuple(_d.values())))

</pallas_src>

<mosaic_0001>
#map = affine_map<(d0, d1) -> (0)>
#map1 = affine_map<(d0, d1) -> (0, 0)>
#map2 = affine_map<(d0, d1) -> (0, 0, 0)>
module attributes {stable_mosaic.version = 14 : i64} {
  func.func @_sc_edge_pool(%arg0: i32, %arg1: i32, %arg2: memref<320000xi32, #tpu.memory_space<hbm>>, %arg3: memref<10000xi32, #tpu.memory_space<hbm>>, %arg4: memref<320000x128xf32, #tpu.memory_space<hbm>>, %arg5: memref<256x128xf32, #tpu.memory_space<hbm>>, %arg6: memref<2x256x128xf32, #tpu.memory_space<hbm>>, %arg7: memref<32x4096xf32, #tpu.memory_space<hbm>>, %arg8: memref<10000xi32, #tpu.memory_space<vmem>>, %arg9: memref<6000xi32, #tpu.memory_space<vmem>>, %arg10: memref<4x80x128xf32, #tpu.memory_space<vmem>>, %arg11: memref<4x80xi32, #tpu.memory_space<vmem>>, %arg12: memref<256x128xf32, #tpu.memory_space<vmem_shared>>, %arg13: memref<4096xf32, #tpu.memory_space<vmem>>, %arg14: memref<!tpu.dma_semaphore, #tpu.memory_space<semaphore_mem>>, %arg15: memref<!tpu.dma_semaphore, #tpu.memory_space<semaphore_mem>>, %arg16: memref<!tpu.dma_semaphore, #tpu.memory_space<semaphore_mem>>, %arg17: memref<!tpu.dma_semaphore, #tpu.memory_space<semaphore_mem>>, %arg18: memref<!tpu.dma_semaphore, #tpu.memory_space<semaphore_mem>>, %arg19: memref<!tpu.dma_semaphore, #tpu.memory_space<semaphore_mem>>, %arg20: memref<!tpu.dma_semaphore, #tpu.memory_space<semaphore_mem>>, %arg21: memref<!tpu.dma_semaphore, #tpu.memory_space<semaphore_mem>>, %arg22: memref<!tpu.dma_semaphore, #tpu.memory_space<semaphore_mem>>) attributes {dimension_semantics = [#tpu.dimension_semantics<core_parallel>, #tpu.dimension_semantics<subcore_parallel>], iteration_bounds = array<i64: 2, 16>, scalar_prefetch = 0 : i64, scratch_operands = 15 : i64, tpu.core_type = #tpu.core_type<sc_vector_subcore>, window_params = [{transform_indices = #map}, {transform_indices = #map}, {transform_indices = #map1}, {transform_indices = #map1}, {transform_indices = #map2}, {transform_indices = #map1}]} {
    %mul3A = arith.constant 2 : i32
    %mul3A_0 = arith.muli %arg1, %mul3A : i32
    %add3A = arith.addi %mul3A_0, %arg0 : i32
    %mul3A_1 = arith.constant 6000 : i32
    %mul3A_2 = arith.muli %add3A, %mul3A_1 : i32
    tpu.enqueue_dma source(%arg3 : memref<10000xi32, #tpu.memory_space<hbm>>) target(%arg8 : memref<10000xi32, #tpu.memory_space<vmem>>) target_semaphore(%arg22 : memref<!tpu.dma_semaphore, #tpu.memory_space<semaphore_mem>>)
    %dma_start3A = tpu.memref_slice %arg2[%mul3A_2] : memref<320000xi32, #tpu.memory_space<hbm>> -> memref<6000xi32, #tpu.memory_space<hbm>>
    %dma_start3A_3 = tpu.memref_slice %arg2[%mul3A_2] : memref<320000xi32, #tpu.memory_space<hbm>> -> memref<6000xi32, #tpu.memory_space<hbm>>
    tpu.enqueue_dma source(%dma_start3A_3 : memref<6000xi32, #tpu.memory_space<hbm>>) target(%arg9 : memref<6000xi32, #tpu.memory_space<vmem>>) target_semaphore(%arg22 : memref<!tpu.dma_semaphore, #tpu.memory_space<semaphore_mem>>)
    %eq3A = arith.constant 0 : i32
    %eq3A_4 = arith.cmpi eq, %arg1, %eq3A : i32
    %convert_element_type3A = arith.extui %eq3A_4 : i1 to i32
    %cond3A = arith.constant 0 : i32
    %cond3A_5 = arith.cmpi ne, %convert_element_type3A, %cond3A : i32
    scf.if %cond3A_5 {
      "tpu.region"() ({
        %run_scoped3A = tpu.sem_alloc : memref<!tpu.dma_semaphore, #tpu.memory_space<semaphore_mem>>
        tpu.enqueue_dma source(%arg5 : memref<256x128xf32, #tpu.memory_space<hbm>>) target(%arg12 : memref<256x128xf32, #tpu.memory_space<vmem_shared>>) target_semaphore(%run_scoped3A : memref<!tpu.dma_semaphore, #tpu.memory_space<semaphore_mem>>)
        tpu.wait_dma2 semaphore(%run_scoped3A : memref<!tpu.dma_semaphore, #tpu.memory_space<semaphore_mem>>) src(%arg5 : memref<256x128xf32, #tpu.memory_space<hbm>>) dst(%arg12 : memref<256x128xf32, #tpu.memory_space<vmem_shared>>)
        tpu.yield
      }) : () -> ()
    } else {
    }
    %broadcast_in_dim3A = arith.constant 0.000000e+00 : f32
    %broadcast_in_dim3A_6 = vector.broadcast %broadcast_in_dim3A : f32 to vector<16xf32>
    %broadcast_in_dim3A_7 = arith.constant 1.000000e+00 : f32
    %broadcast_in_dim3A_8 = vector.broadcast %broadcast_in_dim3A_7 : f32 to vector<16xf32>
    %iota3A = tpu.iota {dimensions = array<i32: 0>} : vector<16xi32>
    %scan3A = arith.constant 0 : i32
    %scan3A_9 = arith.constant 0 : i32
    %scan3A_10 = arith.constant 16 : i32
    %scan3A_11 = arith.addi %scan3A_9, %scan3A_10 : i32
    %scan3A_12 = arith.constant 1 : i32
    scf.for %scan3A_105 = %scan3A_9 to %scan3A_11 step %scan3A_12  : i32 {
      %mul3A_106 = arith.constant 256 : i32
      %mul3A_107 = arith.muli %scan3A_105, %mul3A_106 : i32
      %add3A_108 = arith.constant 0 : i32
      %add3A_109 = arith.addi %mul3A_107, %add3A_108 : i32
      %swap3A = arith.index_cast %add3A_109 : i32 to index
      %swap3A_110 = tpu.vector_load %arg13[%swap3A] {strides = array<i32>} : memref<4096xf32, #tpu.memory_space<vmem>>, vector<16xf32>,
      tpu.vector_store %arg13[%swap3A], %broadcast_in_dim3A_6 {strides = array<i32>} : memref<4096xf32, #tpu.memory_space<vmem>>, vector<16xf32>,
      %mul3A_111 = arith.constant 256 : i32
      %mul3A_112 = arith.muli %scan3A_105, %mul3A_111 : i32
      %add3A_113 = arith.constant 16 : i32
      %add3A_114 = arith.addi %mul3A_112, %add3A_113 : i32
      %swap3A_115 = arith.index_cast %add3A_114 : i32 to index
      %swap3A_116 = tpu.vector_load %arg13[%swap3A_115] {strides = array<i32>} : memref<4096xf32, #tpu.memory_space<vmem>>, vector<16xf32>,
      tpu.vector_store %arg13[%swap3A_115], %broadcast_in_dim3A_6 {strides = array<i32>} : memref<4096xf32, #tpu.memory_space<vmem>>, vector<16xf32>,
      %mul3A_117 = arith.constant 256 : i32
      %mul3A_118 = arith.muli %scan3A_105, %mul3A_117 : i32
      %add3A_119 = arith.constant 32 : i32
      %add3A_120 = arith.addi %mul3A_118, %add3A_119 : i32
      %swap3A_121 = arith.index_cast %add3A_120 : i32 to index
      %swap3A_122 = tpu.vector_load %arg13[%swap3A_121] {strides = array<i32>} : memref<4096xf32, #tpu.memory_space<vmem>>, vector<16xf32>,
      tpu.vector_store %arg13[%swap3A_121], %broadcast_in_dim3A_6 {strides = array<i32>} : memref<4096xf32, #tpu.memory_space<vmem>>, vector<16xf32>,
      %mul3A_123 = arith.constant 256 : i32
      %mul3A_124 = arith.muli %scan3A_105, %mul3A_123 : i32
      %add3A_125 = arith.constant 48 : i32
      %add3A_126 = arith.addi %mul3A_124, %add3A_125 : i32
      %swap3A_127 = arith.index_cast %add3A_126 : i32 to index
      %swap3A_128 = tpu.vector_load %arg13[%swap3A_127] {strides = array<i32>} : memref<4096xf32, #tpu.memory_space<vmem>>, vector<16xf32>,
      tpu.vector_store %arg13[%swap3A_127], %broadcast_in_dim3A_6 {strides = array<i32>} : memref<4096xf32, #tpu.memory_space<vmem>>, vector<16xf32>,
      %mul3A_129 = arith.constant 256 : i32
      %mul3A_130 = arith.muli %scan3A_105, %mul3A_129 : i32
      %add3A_131 = arith.constant 64 : i32
      %add3A_132 = arith.addi %mul3A_130, %add3A_131 : i32
      %swap3A_133 = arith.index_cast %add3A_132 : i32 to index
      %swap3A_134 = tpu.vector_load %arg13[%swap3A_133] {strides = array<i32>} : memref<4096xf32, #tpu.memory_space<vmem>>, vector<16xf32>,
      tpu.vector_store %arg13[%swap3A_133], %broadcast_in_dim3A_6 {strides = array<i32>} : memref<4096xf32, #tpu.memory_space<vmem>>, vector<16xf32>,
      %mul3A_135 = arith.constant 256 : i32
      %mul3A_136 = arith.muli %scan3A_105, %mul3A_135 : i32
      %add3A_137 = arith.constant 80 : i32
      %add3A_138 = arith.addi %mul3A_136, %add3A_137 : i32
      %swap3A_139 = arith.index_cast %add3A_138 : i32 to index
      %swap3A_140 = tpu.vector_load %arg13[%swap3A_139] {strides = array<i32>} : memref<4096xf32, #tpu.memory_space<vmem>>, vector<16xf32>,
      tpu.vector_store %arg13[%swap3A_139], %broadcast_in_dim3A_6 {strides = array<i32>} : memref<4096xf32, #tpu.memory_space<vmem>>, vector<16xf32>,
      %mul3A_141 = arith.constant 256 : i32
      %mul3A_142 = arith.muli %scan3A_105, %mul3A_141 : i32
      %add3A_143 = arith.constant 96 : i32
      %add3A_144 = arith.addi %mul3A_142, %add3A_143 : i32
      %swap3A_145 = arith.index_cast %add3A_144 : i32 to index
      %swap3A_146 = tpu.vector_load %arg13[%swap3A_145] {strides = array<i32>} : memref<4096xf32, #tpu.memory_space<vmem>>, vector<16xf32>,
      tpu.vector_store %arg13[%swap3A_145], %broadcast_in_dim3A_6 {strides = array<i32>} : memref<4096xf32, #tpu.memory_space<vmem>>, vector<16xf32>,
      %mul3A_147 = arith.constant 256 : i32
      %mul3A_148 = arith.muli %scan3A_105, %mul3A_147 : i32
      %add3A_149 = arith.constant 112 : i32
      %add3A_150 = arith.addi %mul3A_148, %add3A_149 : i32
      %swap3A_151 = arith.index_cast %add3A_150 : i32 to index
      %swap3A_152 = tpu.vector_load %arg13[%swap3A_151] {strides = array<i32>} : memref<4096xf32, #tpu.memory_space<vmem>>, vector<16xf32>,
      tpu.vector_store %arg13[%swap3A_151], %broadcast_in_dim3A_6 {strides = array<i32>} : memref<4096xf32, #tpu.memory_space<vmem>>, vector<16xf32>,
      %mul3A_153 = arith.constant 256 : i32
      %mul3A_154 = arith.muli %scan3A_105, %mul3A_153 : i32
      %add3A_155 = arith.constant 128 : i32
      %add3A_156 = arith.addi %mul3A_154, %add3A_155 : i32
      %swap3A_157 = arith.index_cast %add3A_156 : i32 to index
      %swap3A_158 = tpu.vector_load %arg13[%swap3A_157] {strides = array<i32>} : memref<4096xf32, #tpu.memory_space<vmem>>, vector<16xf32>,
      tpu.vector_store %arg13[%swap3A_157], %broadcast_in_dim3A_6 {strides = array<i32>} : memref<4096xf32, #tpu.memory_space<vmem>>, vector<16xf32>,
      %mul3A_159 = arith.constant 256 : i32
      %mul3A_160 = arith.muli %scan3A_105, %mul3A_159 : i32
      %add3A_161 = arith.constant 144 : i32
      %add3A_162 = arith.addi %mul3A_160, %add3A_161 : i32
      %swap3A_163 = arith.index_cast %add3A_162 : i32 to index
      %swap3A_164 = tpu.vector_load %arg13[%swap3A_163] {strides = array<i32>} : memref<4096xf32, #tpu.memory_space<vmem>>, vector<16xf32>,
      tpu.vector_store %arg13[%swap3A_163], %broadcast_in_dim3A_6 {strides = array<i32>} : memref<4096xf32, #tpu.memory_space<vmem>>, vector<16xf32>,
      %mul3A_165 = arith.constant 256 : i32
      %mul3A_166 = arith.muli %scan3A_105, %mul3A_165 : i32
      %add3A_167 = arith.constant 160 : i32
      %add3A_168 = arith.addi %mul3A_166, %add3A_167 : i32
      %swap3A_169 = arith.index_cast %add3A_168 : i32 to index
      %swap3A_170 = tpu.vector_load %arg13[%swap3A_169] {strides = array<i32>} : memref<4096xf32, #tpu.memory_space<vmem>>, vector<16xf32>,
      tpu.vector_store %arg13[%swap3A_169], %broadcast_in_dim3A_6 {strides = array<i32>} : memref<4096xf32, #tpu.memory_space<vmem>>, vector<16xf32>,
      %mul3A_171 = arith.constant 256 : i32
      %mul3A_172 = arith.muli %scan3A_105, %mul3A_171 : i32
      %add3A_173 = arith.constant 176 : i32
      %add3A_174 = arith.addi %mul3A_172, %add3A_173 : i32
      %swap3A_175 = arith.index_cast %add3A_174 : i32 to index
      %swap3A_176 = tpu.vector_load %arg13[%swap3A_175] {strides = array<i32>} : memref<4096xf32, #tpu.memory_space<vmem>>, vector<16xf32>,
      tpu.vector_store %arg13[%swap3A_175], %broadcast_in_dim3A_6 {strides = array<i32>} : memref<4096xf32, #tpu.memory_space<vmem>>, vector<16xf32>,
      %mul3A_177 = arith.constant 256 : i32
      %mul3A_178 = arith.muli %scan3A_105, %mul3A_177 : i32
      %add3A_179 = arith.constant 192 : i32
      %add3A_180 = arith.addi %mul3A_178, %add3A_179 : i32
      %swap3A_181 = arith.index_cast %add3A_180 : i32 to index
      %swap3A_182 = tpu.vector_load %arg13[%swap3A_181] {strides = array<i32>} : memref<4096xf32, #tpu.memory_space<vmem>>, vector<16xf32>,
      tpu.vector_store %arg13[%swap3A_181], %broadcast_in_dim3A_6 {strides = array<i32>} : memref<4096xf32, #tpu.memory_space<vmem>>, vector<16xf32>,
      %mul3A_183 = arith.constant 256 : i32
      %mul3A_184 = arith.muli %scan3A_105, %mul3A_183 : i32
      %add3A_185 = arith.constant 208 : i32
      %add3A_186 = arith.addi %mul3A_184, %add3A_185 : i32
      %swap3A_187 = arith.index_cast %add3A_186 : i32 to index
      %swap3A_188 = tpu.vector_load %arg13[%swap3A_187] {strides = array<i32>} : memref<4096xf32, #tpu.memory_space<vmem>>, vector<16xf32>,
      tpu.vector_store %arg13[%swap3A_187], %broadcast_in_dim3A_6 {strides = array<i32>} : memref<4096xf32, #tpu.memory_space<vmem>>, vector<16xf32>,
      %mul3A_189 = arith.constant 256 : i32
      %mul3A_190 = arith.muli %scan3A_105, %mul3A_189 : i32
      %add3A_191 = arith.constant 224 : i32
      %add3A_192 = arith.addi %mul3A_190, %add3A_191 : i32
      %swap3A_193 = arith.index_cast %add3A_192 : i32 to index
      %swap3A_194 = tpu.vector_load %arg13[%swap3A_193] {strides = array<i32>} : memref<4096xf32, #tpu.memory_space<vmem>>, vector<16xf32>,
      tpu.vector_store %arg13[%swap3A_193], %broadcast_in_dim3A_6 {strides = array<i32>} : memref<4096xf32, #tpu.memory_space<vmem>>, vector<16xf32>,
      %mul3A_195 = arith.constant 256 : i32
      %mul3A_196 = arith.muli %scan3A_105, %mul3A_195 : i32
      %add3A_197 = arith.constant 240 : i32
      %add3A_198 = arith.addi %mul3A_196, %add3A_197 : i32
      %swap3A_199 = arith.index_cast %add3A_198 : i32 to index
      %swap3A_200 = tpu.vector_load %arg13[%swap3A_199] {strides = array<i32>} : memref<4096xf32, #tpu.memory_space<vmem>>, vector<16xf32>,
      tpu.vector_store %arg13[%swap3A_199], %broadcast_in_dim3A_6 {strides = array<i32>} : memref<4096xf32, #tpu.memory_space<vmem>>, vector<16xf32>,
    }
    %scan3A_13 = arith.constant 16 : i32
    tpu.wait_dma2 semaphore(%arg22 : memref<!tpu.dma_semaphore, #tpu.memory_space<semaphore_mem>>) src(%arg3 : memref<10000xi32, #tpu.memory_space<hbm>>) dst(%arg8 : memref<10000xi32, #tpu.memory_space<vmem>>)
    %dma_wait3A = tpu.memref_slice %arg2[%mul3A_2] : memref<320000xi32, #tpu.memory_space<hbm>> -> memref<6000xi32, #tpu.memory_space<hbm>>
    %dma_wait3A_14 = tpu.memref_slice %arg2[%mul3A_2] : memref<320000xi32, #tpu.memory_space<hbm>> -> memref<6000xi32, #tpu.memory_space<hbm>>
    tpu.wait_dma2 semaphore(%arg22 : memref<!tpu.dma_semaphore, #tpu.memory_space<semaphore_mem>>) src(%dma_wait3A_14 : memref<6000xi32, #tpu.memory_space<hbm>>) dst(%arg9 : memref<6000xi32, #tpu.memory_space<vmem>>)
    %barrier3A = arith.constant 0 : index
    tpu.barrier barrier_id(%barrier3A)
    %add3A_15 = arith.constant 0 : i32
    %add3A_16 = arith.addi %mul3A_2, %add3A_15 : i32
    %dma_start3A_17 = arith.constant 0 : i32
    %dma_start3A_18 = arith.constant 0 : i32
    %dma_start3A_19 = arith.constant 0 : i32
    %dma_start3A_20 = tpu.memref_slice %arg10[%dma_start3A_17, %dma_start3A_18, %dma_start3A_19] : memref<4x80x128xf32, #tpu.memory_space<vmem>> -> memref<1x80x128xf32, #tpu.memory_space<vmem>>
    %dma_start3A_21 = tpu.memref_squeeze %dma_start3A_20 : memref<1x80x128xf32, #tpu.memory_space<vmem>> -> memref<80x128xf32, #tpu.memory_space<vmem>>
    %dma_start3A_22 = arith.constant 0 : i32
    %dma_start3A_23 = tpu.memref_slice %arg4[%add3A_16, %dma_start3A_22] : memref<320000x128xf32, #tpu.memory_space<hbm>> -> memref<80x128xf32, #tpu.memory_space<hbm>>
    %dma_start3A_24 = arith.constant 0 : i32
    %dma_start3A_25 = arith.constant 0 : i32
    %dma_start3A_26 = tpu.memref_slice %arg10[%dma_start3A_17, %dma_start3A_24, %dma_start3A_25] : memref<4x80x128xf32, #tpu.memory_space<vmem>> -> memref<1x80x128xf32, #tpu.memory_space<vmem>>
    %dma_start3A_27 = tpu.memref_squeeze %dma_start3A_26 : memref<1x80x128xf32, #tpu.memory_space<vmem>> -> memref<80x128xf32, #tpu.memory_space<vmem>>
    %dma_start3A_28 = arith.constant 0 : i32
    %dma_start3A_29 = tpu.memref_slice %arg4[%add3A_16, %dma_start3A_28] : memref<320000x128xf32, #tpu.memory_space<hbm>> -> memref<80x128xf32, #tpu.memory_space<hbm>>
    tpu.enqueue_dma source(%dma_start3A_29 : memref<80x128xf32, #tpu.memory_space<hbm>>) target(%dma_start3A_27 : memref<80x128xf32, #tpu.memory_space<vmem>>) target_semaphore(%arg14 : memref<!tpu.dma_semaphore, #tpu.memory_space<semaphore_mem>>)
    %add3A_30 = arith.constant 80 : i32
    %add3A_31 = arith.addi %mul3A_2, %add3A_30 : i32
    %dma_start3A_32 = arith.constant 1 : i32
    %dma_start3A_33 = arith.constant 0 : i32
    %dma_start3A_34 = arith.constant 0 : i32
    %dma_start3A_35 = tpu.memref_slice %arg10[%dma_start3A_32, %dma_start3A_33, %dma_start3A_34] : memref<4x80x128xf32, #tpu.memory_space<vmem>> -> memref<1x80x128xf32, #tpu.memory_space<vmem>>
    %dma_start3A_36 = tpu.memref_squeeze %dma_start3A_35 : memref<1x80x128xf32, #tpu.memory_space<vmem>> -> memref<80x128xf32, #tpu.memory_space<vmem>>
    %dma_start3A_37 = arith.constant 0 : i32
    %dma_start3A_38 = tpu.memref_slice %arg4[%add3A_31, %dma_start3A_37] : memref<320000x128xf32, #tpu.memory_space<hbm>> -> memref<80x128xf32, #tpu.memory_space<hbm>>
    %dma_start3A_39 = arith.constant 0 : i32
    %dma_start3A_40 = arith.constant 0 : i32
    %dma_start3A_41 = tpu.memref_slice %arg10[%dma_start3A_32, %dma_start3A_39, %dma_start3A_40] : memref<4x80x128xf32, #tpu.memory_space<vmem>> -> memref<1x80x128xf32, #tpu.memory_space<vmem>>
    %dma_start3A_42 = tpu.memref_squeeze %dma_start3A_41 : memref<1x80x128xf32, #tpu.memory_space<vmem>> -> memref<80x128xf32, #tpu.memory_space<vmem>>
    %dma_start3A_43 = arith.constant 0 : i32
    %dma_start3A_44 = tpu.memref_slice %arg4[%add3A_31, %dma_start3A_43] : memref<320000x128xf32, #tpu.memory_space<hbm>> -> memref<80x128xf32, #tpu.memory_space<hbm>>
    tpu.enqueue_dma source(%dma_start3A_44 : memref<80x128xf32, #tpu.memory_space<hbm>>) target(%dma_start3A_42 : memref<80x128xf32, #tpu.memory_space<vmem>>) target_semaphore(%arg15 : memref<!tpu.dma_semaphore, #tpu.memory_space<semaphore_mem>>)
    %scan3A_45 = arith.constant 0 : i32
    %scan3A_46 = arith.constant 0 : i32
    %scan3A_47 = arith.constant 19 : i32
    %scan3A_48 = arith.addi %scan3A_46, %scan3A_47 : i32
    %scan3A_49 = arith.constant 1 : i32
    scf.for %scan3A_105 = %scan3A_46 to %scan3A_48 step %scan3A_49  : i32 {
      %mul3A_106 = arith.constant 4 : i32
      %mul3A_107 = arith.muli %scan3A_105, %mul3A_106 : i32
      %add3A_108 = arith.constant 0 : i32
      %add3A_109 = arith.addi %mul3A_107, %add3A_108 : i32
      %lt3A = arith.constant 75 : i32
      %lt3A_110 = arith.cmpi slt, %add3A_109, %lt3A : i32
      %convert_element_type3A_111 = arith.extui %lt3A_110 : i1 to i32
      %cond3A_112 = arith.constant 0 : i32
      %cond3A_113 = arith.cmpi ne, %convert_element_type3A_111, %cond3A_112 : i32
      scf.if %cond3A_113 {
        %add3A_169 = arith.constant 0 : i32
        %add3A_170 = arith.addi %mul3A_2, %add3A_169 : i32
        %dma_wait3A_171 = arith.constant 0 : i32
        %dma_wait3A_172 = arith.constant 0 : i32
        %dma_wait3A_173 = arith.constant 0 : i32
        %dma_wait3A_174 = tpu.memref_slice %arg10[%dma_wait3A_171, %dma_wait3A_172, %dma_wait3A_173] : memref<4x80x128xf32, #tpu.memory_space<vmem>> -> memref<1x80x128xf32, #tpu.memory_space<vmem>>
        %dma_wait3A_175 = tpu.memref_squeeze %dma_wait3A_174 : memref<1x80x128xf32, #tpu.memory_space<vmem>> -> memref<80x128xf32, #tpu.memory_space<vmem>>
        %dma_wait3A_176 = arith.constant 0 : i32
        %dma_wait3A_177 = tpu.memref_slice %arg4[%add3A_170, %dma_wait3A_176] : memref<320000x128xf32, #tpu.memory_space<hbm>> -> memref<80x128xf32, #tpu.memory_space<hbm>>
        %dma_wait3A_178 = arith.constant 0 : i32
        %dma_wait3A_179 = arith.constant 0 : i32
        %dma_wait3A_180 = tpu.memref_slice %arg10[%dma_wait3A_171, %dma_wait3A_178, %dma_wait3A_179] : memref<4x80x128xf32, #tpu.memory_space<vmem>> -> memref<1x80x128xf32, #tpu.memory_space<vmem>>
        %dma_wait3A_181 = tpu.memref_squeeze %dma_wait3A_180 : memref<1x80x128xf32, #tpu.memory_space<vmem>> -> memref<80x128xf32, #tpu.memory_space<vmem>>
        %dma_wait3A_182 = arith.constant 0 : i32
        %dma_wait3A_183 = tpu.memref_slice %arg4[%add3A_170, %dma_wait3A_182] : memref<320000x128xf32, #tpu.memory_space<hbm>> -> memref<80x128xf32, #tpu.memory_space<hbm>>
        tpu.wait_dma2 semaphore(%arg14 : memref<!tpu.dma_semaphore, #tpu.memory_space<semaphore_mem>>) src(%dma_wait3A_183 : memref<80x128xf32, #tpu.memory_space<hbm>>) dst(%dma_wait3A_181 : memref<80x128xf32, #tpu.memory_space<vmem>>)
        %mul3A_184 = arith.constant 80 : i32
        %mul3A_185 = arith.muli %add3A_109, %mul3A_184 : i32
        %add3A_186 = arith.constant 0 : i32
        %add3A_187 = arith.addi %mul3A_185, %add3A_186 : i32
        %get3A = arith.index_cast %add3A_187 : i32 to index
        %get3A_188 = tpu.vector_load %arg9[%get3A] {strides = array<i32>} : memref<6000xi32, #tpu.memory_space<vmem>>, vector<16xi32>,
        %gather3A = tpu.vector_load_idx %arg8[%get3A_188] : memref<10000xi32, #tpu.memory_space<vmem>>[vector<16xi32>], vector<16xi32>,
        %swap3A = arith.constant 0 : i32
        %swap3A_189 = arith.index_cast %swap3A : i32 to index
        %swap3A_190 = arith.constant 0 : index
        %swap3A_191 = tpu.vector_load %arg11[%swap3A_189, %swap3A_190] {strides = array<i32>} : memref<4x80xi32, #tpu.memory_space<vmem>>, vector<16xi32>,
        tpu.vector_store %arg11[%swap3A_189, %swap3A_190], %gather3A {strides = array<i32>} : memref<4x80xi32, #tpu.memory_space<vmem>>, vector<16xi32>,
        %mul3A_192 = arith.constant 80 : i32
        %mul3A_193 = arith.muli %add3A_109, %mul3A_192 : i32
        %add3A_194 = arith.constant 16 : i32
        %add3A_195 = arith.addi %mul3A_193, %add3A_194 : i32
        %get3A_196 = arith.index_cast %add3A_195 : i32 to index
        %get3A_197 = tpu.vector_load %arg9[%get3A_196] {strides = array<i32>} : memref<6000xi32, #tpu.memory_space<vmem>>, vector<16xi32>,
        %gather3A_198 = tpu.vector_load_idx %arg8[%get3A_197] : memref<10000xi32, #tpu.memory_space<vmem>>[vector<16xi32>], vector<16xi32>,
        %swap3A_199 = arith.constant 0 : i32
        %swap3A_200 = arith.index_cast %swap3A_199 : i32 to index
        %swap3A_201 = arith.constant 16 : index
        %swap3A_202 = tpu.vector_load %arg11[%swap3A_200, %swap3A_201] {strides = array<i32>} : memref<4x80xi32, #tpu.memory_space<vmem>>, vector<16xi32>,
        tpu.vector_store %arg11[%swap3A_200, %swap3A_201], %gather3A_198 {strides = array<i32>} : memref<4x80xi32, #tpu.memory_space<vmem>>, vector<16xi32>,
        %mul3A_203 = arith.constant 80 : i32
        %mul3A_204 = arith.muli %add3A_109, %mul3A_203 : i32
        %add3A_205 = arith.constant 32 : i32
        %add3A_206 = arith.addi %mul3A_204, %add3A_205 : i32
        %get3A_207 = arith.index_cast %add3A_206 : i32 to index
        %get3A_208 = tpu.vector_load %arg9[%get3A_207] {strides = array<i32>} : memref<6000xi32, #tpu.memory_space<vmem>>, vector<16xi32>,
        %gather3A_209 = tpu.vector_load_idx %arg8[%get3A_208] : memref<10000xi32, #tpu.memory_space<vmem>>[vector<16xi32>], vector<16xi32>,
        %swap3A_210 = arith.constant 0 : i32
        %swap3A_211 = arith.index_cast %swap3A_210 : i32 to index
        %swap3A_212 = arith.constant 32 : index
        %swap3A_213 = tpu.vector_load %arg11[%swap3A_211, %swap3A_212] {strides = array<i32>} : memref<4x80xi32, #tpu.memory_space<vmem>>, vector<16xi32>,
        tpu.vector_store %arg11[%swap3A_211, %swap3A_212], %gather3A_209 {strides = array<i32>} : memref<4x80xi32, #tpu.memory_space<vmem>>, vector<16xi32>,
        %mul3A_214 = arith.constant 80 : i32
        %mul3A_215 = arith.muli %add3A_109, %mul3A_214 : i32
        %add3A_216 = arith.constant 48 : i32
        %add3A_217 = arith.addi %mul3A_215, %add3A_216 : i32
        %get3A_218 = arith.index_cast %add3A_217 : i32 to index
        %get3A_219 = tpu.vector_load %arg9[%get3A_218] {strides = array<i32>} : memref<6000xi32, #tpu.memory_space<vmem>>, vector<16xi32>,
        %gather3A_220 = tpu.vector_load_idx %arg8[%get3A_219] : memref<10000xi32, #tpu.memory_space<vmem>>[vector<16xi32>], vector<16xi32>,
        %swap3A_221 = arith.constant 0 : i32
        %swap3A_222 = arith.index_cast %swap3A_221 : i32 to index
        %swap3A_223 = arith.constant 48 : index
        %swap3A_224 = tpu.vector_load %arg11[%swap3A_222, %swap3A_223] {strides = array<i32>} : memref<4x80xi32, #tpu.memory_space<vmem>>, vector<16xi32>,
        tpu.vector_store %arg11[%swap3A_222, %swap3A_223], %gather3A_220 {strides = array<i32>} : memref<4x80xi32, #tpu.memory_space<vmem>>, vector<16xi32>,
        %mul3A_225 = arith.constant 80 : i32
        %mul3A_226 = arith.muli %add3A_109, %mul3A_225 : i32
        %add3A_227 = arith.constant 64 : i32
        %add3A_228 = arith.addi %mul3A_226, %add3A_227 : i32
        %get3A_229 = arith.index_cast %add3A_228 : i32 to index
        %get3A_230 = tpu.vector_load %arg9[%get3A_229] {strides = array<i32>} : memref<6000xi32, #tpu.memory_space<vmem>>, vector<16xi32>,
        %gather3A_231 = tpu.vector_load_idx %arg8[%get3A_230] : memref<10000xi32, #tpu.memory_space<vmem>>[vector<16xi32>], vector<16xi32>,
        %swap3A_232 = arith.constant 0 : i32
        %swap3A_233 = arith.index_cast %swap3A_232 : i32 to index
        %swap3A_234 = arith.constant 64 : index
        %swap3A_235 = tpu.vector_load %arg11[%swap3A_233, %swap3A_234] {strides = array<i32>} : memref<4x80xi32, #tpu.memory_space<vmem>>, vector<16xi32>,
        tpu.vector_store %arg11[%swap3A_233, %swap3A_234], %gather3A_231 {strides = array<i32>} : memref<4x80xi32, #tpu.memory_space<vmem>>, vector<16xi32>,
        %dma_start3A_236 = arith.constant 0 : i32
        %dma_start3A_237 = arith.constant 0 : i32
        %dma_start3A_238 = arith.constant 0 : i32
        %dma_start3A_239 = arith.constant 0 : i32
        %dma_start3A_240 = tpu.memref_slice %arg10[%dma_start3A_236, %dma_start3A_238, %dma_start3A_239] : memref<4x80x128xf32, #tpu.memory_space<vmem>> -> memref<1x80x128xf32, #tpu.memory_space<vmem>>
        %dma_start3A_241 = tpu.memref_squeeze %dma_start3A_240 : memref<1x80x128xf32, #tpu.memory_space<vmem>> -> memref<80x128xf32, #tpu.memory_space<vmem>>
        %dma_start3A_242 = arith.constant 0 : i32
        %dma_start3A_243 = tpu.memref_slice %arg11[%dma_start3A_237, %dma_start3A_242] : memref<4x80xi32, #tpu.memory_space<vmem>> -> memref<1x80xi32, #tpu.memory_space<vmem>>
        %dma_start3A_244 = tpu.memref_squeeze %dma_start3A_243 : memref<1x80xi32, #tpu.memory_space<vmem>> -> memref<80xi32, #tpu.memory_space<vmem>>
        %dma_start3A_245 = arith.constant 0 : i32
        %dma_start3A_246 = arith.constant 0 : i32
        %dma_start3A_247 = tpu.memref_slice %arg12[%dma_start3A_245, %dma_start3A_246] : memref<256x128xf32, #tpu.memory_space<vmem_shared>> -> memref<256x128xf32, #tpu.memory_space<vmem_shared>>
        tpu.enqueue_indirect_dma source(%dma_start3A_241 : memref<80x128xf32, #tpu.memory_space<vmem>>) target(%dma_start3A_247 : memref<256x128xf32, #tpu.memory_space<vmem_shared>>) offsets(%dma_start3A_244 : memref<80xi32, #tpu.memory_space<vmem>>) semaphore(%arg18 : memref<!tpu.dma_semaphore, #tpu.memory_space<semaphore_mem>>) {add = true}
        %get3A_248 = arith.constant 0 : i32
        %get3A_249 = arith.index_cast %get3A_248 : i32 to index
        %get3A_250 = arith.constant 0 : index
        %get3A_251 = tpu.vector_load %arg11[%get3A_249, %get3A_250] {strides = array<i32>} : memref<4x80xi32, #tpu.memory_space<vmem>>, vector<16xi32>,
        %mul3A_252 = arith.constant 16 : i32
        %mul3A_253 = vector.broadcast %mul3A_252 : i32 to vector<16xi32>
        %mul3A_254 = arith.muli %get3A_251, %mul3A_253 : vector<16xi32>
        %add3A_255 = arith.addi %mul3A_254, %iota3A : vector<16xi32>
        tpu.vector_store_idx %arg13[%add3A_255], %broadcast_in_dim3A_8 {add = true} : memref<4096xf32, #tpu.memory_space<vmem>>[vector<16xi32>], vector<16xf32>,
        %get3A_256 = arith.constant 0 : i32
        %get3A_257 = arith.index_cast %get3A_256 : i32 to index
        %get3A_258 = arith.constant 16 : index
        %get3A_259 = tpu.vector_load %arg11[%get3A_257, %get3A_258] {strides = array<i32>} : memref<4x80xi32, #tpu.memory_space<vmem>>, vector<16xi32>,
        %mul3A_260 = arith.constant 16 : i32
        %mul3A_261 = vector.broadcast %mul3A_260 : i32 to vector<16xi32>
        %mul3A_262 = arith.muli %get3A_259, %mul3A_261 : vector<16xi32>
        %add3A_263 = arith.addi %mul3A_262, %iota3A : vector<16xi32>
        tpu.vector_store_idx %arg13[%add3A_263], %broadcast_in_dim3A_8 {add = true} : memref<4096xf32, #tpu.memory_space<vmem>>[vector<16xi32>], vector<16xf32>,
        %get3A_264 = arith.constant 0 : i32
        %get3A_265 = arith.index_cast %get3A_264 : i32 to index
        %get3A_266 = arith.constant 32 : index
        %get3A_267 = tpu.vector_load %arg11[%get3A_265, %get3A_266] {strides = array<i32>} : memref<4x80xi32, #tpu.memory_space<vmem>>, vector<16xi32>,
        %mul3A_268 = arith.constant 16 : i32
        %mul3A_269 = vector.broadcast %mul3A_268 : i32 to vector<16xi32>
        %mul3A_270 = arith.muli %get3A_267, %mul3A_269 : vector<16xi32>
        %add3A_271 = arith.addi %mul3A_270, %iota3A : vector<16xi32>
        tpu.vector_store_idx %arg13[%add3A_271], %broadcast_in_dim3A_8 {add = true} : memref<4096xf32, #tpu.memory_space<vmem>>[vector<16xi32>], vector<16xf32>,
        %get3A_272 = arith.constant 0 : i32
        %get3A_273 = arith.index_cast %get3A_272 : i32 to index
        %get3A_274 = arith.constant 48 : index
        %get3A_275 = tpu.vector_load %arg11[%get3A_273, %get3A_274] {strides = array<i32>} : memref<4x80xi32, #tpu.memory_space<vmem>>, vector<16xi32>,
        %mul3A_276 = arith.constant 16 : i32
        %mul3A_277 = vector.broadcast %mul3A_276 : i32 to vector<16xi32>
        %mul3A_278 = arith.muli %get3A_275, %mul3A_277 : vector<16xi32>
        %add3A_279 = arith.addi %mul3A_278, %iota3A : vector<16xi32>
        tpu.vector_store_idx %arg13[%add3A_279], %broadcast_in_dim3A_8 {add = true} : memref<4096xf32, #tpu.memory_space<vmem>>[vector<16xi32>], vector<16xf32>,
        %get3A_280 = arith.constant 0 : i32
        %get3A_281 = arith.index_cast %get3A_280 : i32 to index
        %get3A_282 = arith.constant 64 : index
        %get3A_283 = tpu.vector_load %arg11[%get3A_281, %get3A_282] {strides = array<i32>} : memref<4x80xi32, #tpu.memory_space<vmem>>, vector<16xi32>,
        %mul3A_284 = arith.constant 16 : i32
        %mul3A_285 = vector.broadcast %mul3A_284 : i32 to vector<16xi32>
        %mul3A_286 = arith.muli %get3A_283, %mul3A_285 : vector<16xi32>
        %add3A_287 = arith.addi %mul3A_286, %iota3A : vector<16xi32>
        tpu.vector_store_idx %arg13[%add3A_287], %broadcast_in_dim3A_8 {add = true} : memref<4096xf32, #tpu.memory_space<vmem>>[vector<16xi32>], vector<16xf32>,
      } else {
      }
      %add3A_114 = arith.constant 2 : i32
      %add3A_115 = arith.addi %add3A_109, %add3A_114 : i32
      %lt3A_116 = arith.constant 75 : i32
      %lt3A_117 = arith.cmpi slt, %add3A_115, %lt3A_116 : i32
      %convert_element_type3A_118 = arith.extui %lt3A_117 : i1 to i32
      %cond3A_119 = arith.constant 0 : i32
      %cond3A_120 = arith.cmpi ne, %convert_element_type3A_118, %cond3A_119 : i32
      scf.if %cond3A_120 {
        %ge3A = arith.constant 2 : i32
        %ge3A_169 = arith.cmpi sge, %add3A_109, %ge3A : i32
        %convert_element_type3A_170 = arith.extui %ge3A_169 : i1 to i32
        %cond3A_171 = arith.constant 0 : i32
        %cond3A_172 = arith.cmpi ne, %convert_element_type3A_170, %cond3A_171 : i32
        scf.if %cond3A_172 {
          %dma_wait3A_191 = arith.constant 2 : i32
          %dma_wait3A_192 = arith.constant 2 : i32
          %dma_wait3A_193 = arith.constant 0 : i32
          %dma_wait3A_194 = arith.constant 0 : i32
          %dma_wait3A_195 = tpu.memref_slice %arg10[%dma_wait3A_191, %dma_wait3A_193, %dma_wait3A_194] : memref<4x80x128xf32, #tpu.memory_space<vmem>> -> memref<1x80x128xf32, #tpu.memory_space<vmem>>
          %dma_wait3A_196 = tpu.memref_squeeze %dma_wait3A_195 : memref<1x80x128xf32, #tpu.memory_space<vmem>> -> memref<80x128xf32, #tpu.memory_space<vmem>>
          %dma_wait3A_197 = arith.constant 0 : i32
          %dma_wait3A_198 = tpu.memref_slice %arg11[%dma_wait3A_192, %dma_wait3A_197] : memref<4x80xi32, #tpu.memory_space<vmem>> -> memref<1x80xi32, #tpu.memory_space<vmem>>
          %dma_wait3A_199 = tpu.memref_squeeze %dma_wait3A_198 : memref<1x80xi32, #tpu.memory_space<vmem>> -> memref<80xi32, #tpu.memory_space<vmem>>
          %dma_wait3A_200 = arith.constant 0 : i32
          %dma_wait3A_201 = arith.constant 0 : i32
          %dma_wait3A_202 = tpu.memref_slice %arg12[%dma_wait3A_200, %dma_wait3A_201] : memref<256x128xf32, #tpu.memory_space<vmem_shared>> -> memref<256x128xf32, #tpu.memory_space<vmem_shared>>
          tpu.wait_indirect_dma semaphore(%arg20 : memref<!tpu.dma_semaphore, #tpu.memory_space<semaphore_mem>>) src(%dma_wait3A_196 : memref<80x128xf32, #tpu.memory_space<vmem>>) dst(%dma_wait3A_202 : memref<256x128xf32, #tpu.memory_space<vmem_shared>>)
        } else {
        }
        %add3A_173 = arith.constant 2 : i32
        %add3A_174 = arith.addi %add3A_109, %add3A_173 : i32
        %mul3A_175 = arith.constant 80 : i32
        %mul3A_176 = arith.muli %add3A_174, %mul3A_175 : i32
        %add3A_177 = arith.addi %mul3A_2, %mul3A_176 : i32
        %dma_start3A_178 = arith.constant 2 : i32
        %dma_start3A_179 = arith.constant 0 : i32
        %dma_start3A_180 = arith.constant 0 : i32
        %dma_start3A_181 = tpu.memref_slice %arg10[%dma_start3A_178, %dma_start3A_179, %dma_start3A_180] : memref<4x80x128xf32, #tpu.memory_space<vmem>> -> memref<1x80x128xf32, #tpu.memory_space<vmem>>
        %dma_start3A_182 = tpu.memref_squeeze %dma_start3A_181 : memref<1x80x128xf32, #tpu.memory_space<vmem>> -> memref<80x128xf32, #tpu.memory_space<vmem>>
        %dma_start3A_183 = arith.constant 0 : i32
        %dma_start3A_184 = tpu.memref_slice %arg4[%add3A_177, %dma_start3A_183] : memref<320000x128xf32, #tpu.memory_space<hbm>> -> memref<80x128xf32, #tpu.memory_space<hbm>>
        %dma_start3A_185 = arith.constant 0 : i32
        %dma_start3A_186 = arith.constant 0 : i32
        %dma_start3A_187 = tpu.memref_slice %arg10[%dma_start3A_178, %dma_start3A_185, %dma_start3A_186] : memref<4x80x128xf32, #tpu.memory_space<vmem>> -> memref<1x80x128xf32, #tpu.memory_space<vmem>>
        %dma_start3A_188 = tpu.memref_squeeze %dma_start3A_187 : memref<1x80x128xf32, #tpu.memory_space<vmem>> -> memref<80x128xf32, #tpu.memory_space<vmem>>
        %dma_start3A_189 = arith.constant 0 : i32
        %dma_start3A_190 = tpu.memref_slice %arg4[%add3A_177, %dma_start3A_189] : memref<320000x128xf32, #tpu.memory_space<hbm>> -> memref<80x128xf32, #tpu.memory_space<hbm>>
        tpu.enqueue_dma source(%dma_start3A_190 : memref<80x128xf32, #tpu.memory_space<hbm>>) target(%dma_start3A_188 : memref<80x128xf32, #tpu.memory_space<vmem>>) target_semaphore(%arg16 : memref<!tpu.dma_semaphore, #tpu.memory_space<semaphore_mem>>)
      } else {
      }
      %mul3A_121 = arith.constant 4 : i32
      %mul3A_122 = arith.muli %scan3A_105, %mul3A_121 : i32
      %add3A_123 = arith.constant 1 : i32
      %add3A_124 = arith.addi %mul3A_122, %add3A_123 : i32
      %lt3A_125 = arith.constant 75 : i32
      %lt3A_126 = arith.cmpi slt, %add3A_124, %lt3A_125 : i32
      %convert_element_type3A_127 = arith.extui %lt3A_126 : i1 to i32
      %cond3A_128 = arith.constant 0 : i32
      %cond3A_129 = arith.cmpi ne, %convert_element_type3A_127, %cond3A_128 : i32
      scf.if %cond3A_129 {
        %add3A_169 = arith.constant 0 : i32
        %add3A_170 = arith.addi %mul3A_2, %add3A_169 : i32
        %dma_wait3A_171 = arith.constant 1 : i32
        %dma_wait3A_172 = arith.constant 0 : i32
        %dma_wait3A_173 = arith.constant 0 : i32
        %dma_wait3A_174 = tpu.memref_slice %arg10[%dma_wait3A_171, %dma_wait3A_172, %dma_wait3A_173] : memref<4x80x128xf32, #tpu.memory_space<vmem>> -> memref<1x80x128xf32, #tpu.memory_space<vmem>>
        %dma_wait3A_175 = tpu.memref_squeeze %dma_wait3A_174 : memref<1x80x128xf32, #tpu.memory_space<vmem>> -> memref<80x128xf32, #tpu.memory_space<vmem>>
        %dma_wait3A_176 = arith.constant 0 : i32
        %dma_wait3A_177 = tpu.memref_slice %arg4[%add3A_170, %dma_wait3A_176] : memref<320000x128xf32, #tpu.memory_space<hbm>> -> memref<80x128xf32, #tpu.memory_space<hbm>>
        %dma_wait3A_178 = arith.constant 0 : i32
        %dma_wait3A_179 = arith.constant 0 : i32
        %dma_wait3A_180 = tpu.memref_slice %arg10[%dma_wait3A_171, %dma_wait3A_178, %dma_wait3A_179] : memref<4x80x128xf32, #tpu.memory_space<vmem>> -> memref<1x80x128xf32, #tpu.memory_space<vmem>>
        %dma_wait3A_181 = tpu.memref_squeeze %dma_wait3A_180 : memref<1x80x128xf32, #tpu.memory_space<vmem>> -> memref<80x128xf32, #tpu.memory_space<vmem>>
        %dma_wait3A_182 = arith.constant 0 : i32
        %dma_wait3A_183 = tpu.memref_slice %arg4[%add3A_170, %dma_wait3A_182] : memref<320000x128xf32, #tpu.memory_space<hbm>> -> memref<80x128xf32, #tpu.memory_space<hbm>>
        tpu.wait_dma2 semaphore(%arg15 : memref<!tpu.dma_semaphore, #tpu.memory_space<semaphore_mem>>) src(%dma_wait3A_183 : memref<80x128xf32, #tpu.memory_space<hbm>>) dst(%dma_wait3A_181 : memref<80x128xf32, #tpu.memory_space<vmem>>)
        %mul3A_184 = arith.constant 80 : i32
        %mul3A_185 = arith.muli %add3A_124, %mul3A_184 : i32
        %add3A_186 = arith.constant 0 : i32
        %add3A_187 = arith.addi %mul3A_185, %add3A_186 : i32
        %get3A = arith.index_cast %add3A_187 : i32 to index
        %get3A_188 = tpu.vector_load %arg9[%get3A] {strides = array<i32>} : memref<6000xi32, #tpu.memory_space<vmem>>, vector<16xi32>,
        %gather3A = tpu.vector_load_idx %arg8[%get3A_188] : memref<10000xi32, #tpu.memory_space<vmem>>[vector<16xi32>], vector<16xi32>,
        %swap3A = arith.constant 1 : i32
        %swap3A_189 = arith.index_cast %swap3A : i32 to index
        %swap3A_190 = arith.constant 0 : index
        %swap3A_191 = tpu.vector_load %arg11[%swap3A_189, %swap3A_190] {strides = array<i32>} : memref<4x80xi32, #tpu.memory_space<vmem>>, vector<16xi32>,
        tpu.vector_store %arg11[%swap3A_189, %swap3A_190], %gather3A {strides = array<i32>} : memref<4x80xi32, #tpu.memory_space<vmem>>, vector<16xi32>,
        %mul3A_192 = arith.constant 80 : i32
        %mul3A_193 = arith.muli %add3A_124, %mul3A_192 : i32
        %add3A_194 = arith.constant 16 : i32
        %add3A_195 = arith.addi %mul3A_193, %add3A_194 : i32
        %get3A_196 = arith.index_cast %add3A_195 : i32 to index
        %get3A_197 = tpu.vector_load %arg9[%get3A_196] {strides = array<i32>} : memref<6000xi32, #tpu.memory_space<vmem>>, vector<16xi32>,
        %gather3A_198 = tpu.vector_load_idx %arg8[%get3A_197] : memref<10000xi32, #tpu.memory_space<vmem>>[vector<16xi32>], vector<16xi32>,
        %swap3A_199 = arith.constant 1 : i32
        %swap3A_200 = arith.index_cast %swap3A_199 : i32 to index
        %swap3A_201 = arith.constant 16 : index
        %swap3A_202 = tpu.vector_load %arg11[%swap3A_200, %swap3A_201] {strides = array<i32>} : memref<4x80xi32, #tpu.memory_space<vmem>>, vector<16xi32>,
        tpu.vector_store %arg11[%swap3A_200, %swap3A_201], %gather3A_198 {strides = array<i32>} : memref<4x80xi32, #tpu.memory_space<vmem>>, vector<16xi32>,
        %mul3A_203 = arith.constant 80 : i32
        %mul3A_204 = arith.muli %add3A_124, %mul3A_203 : i32
        %add3A_205 = arith.constant 32 : i32
        %add3A_206 = arith.addi %mul3A_204, %add3A_205 : i32
        %get3A_207 = arith.index_cast %add3A_206 : i32 to index
        %get3A_208 = tpu.vector_load %arg9[%get3A_207] {strides = array<i32>} : memref<6000xi32, #tpu.memory_space<vmem>>, vector<16xi32>,
        %gather3A_209 = tpu.vector_load_idx %arg8[%get3A_208] : memref<10000xi32, #tpu.memory_space<vmem>>[vector<16xi32>], vector<16xi32>,
        %swap3A_210 = arith.constant 1 : i32
        %swap3A_211 = arith.index_cast %swap3A_210 : i32 to index
        %swap3A_212 = arith.constant 32 : index
        %swap3A_213 = tpu.vector_load %arg11[%swap3A_211, %swap3A_212] {strides = array<i32>} : memref<4x80xi32, #tpu.memory_space<vmem>>, vector<16xi32>,
        tpu.vector_store %arg11[%swap3A_211, %swap3A_212], %gather3A_209 {strides = array<i32>} : memref<4x80xi32, #tpu.memory_space<vmem>>, vector<16xi32>,
        %mul3A_214 = arith.constant 80 : i32
        %mul3A_215 = arith.muli %add3A_124, %mul3A_214 : i32
        %add3A_216 = arith.constant 48 : i32
        %add3A_217 = arith.addi %mul3A_215, %add3A_216 : i32
        %get3A_218 = arith.index_cast %add3A_217 : i32 to index
        %get3A_219 = tpu.vector_load %arg9[%get3A_218] {strides = array<i32>} : memref<6000xi32, #tpu.memory_space<vmem>>, vector<16xi32>,
        %gather3A_220 = tpu.vector_load_idx %arg8[%get3A_219] : memref<10000xi32, #tpu.memory_space<vmem>>[vector<16xi32>], vector<16xi32>,
        %swap3A_221 = arith.constant 1 : i32
        %swap3A_222 = arith.index_cast %swap3A_221 : i32 to index
        %swap3A_223 = arith.constant 48 : index
        %swap3A_224 = tpu.vector_load %arg11[%swap3A_222, %swap3A_223] {strides = array<i32>} : memref<4x80xi32, #tpu.memory_space<vmem>>, vector<16xi32>,
        tpu.vector_store %arg11[%swap3A_222, %swap3A_223], %gather3A_220 {strides = array<i32>} : memref<4x80xi32, #tpu.memory_space<vmem>>, vector<16xi32>,
        %mul3A_225 = arith.constant 80 : i32
        %mul3A_226 = arith.muli %add3A_124, %mul3A_225 : i32
        %add3A_227 = arith.constant 64 : i32
        %add3A_228 = arith.addi %mul3A_226, %add3A_227 : i32
        %get3A_229 = arith.index_cast %add3A_228 : i32 to index
        %get3A_230 = tpu.vector_load %arg9[%get3A_229] {strides = array<i32>} : memref<6000xi32, #tpu.memory_space<vmem>>, vector<16xi32>,
        %gather3A_231 = tpu.vector_load_idx %arg8[%get3A_230] : memref<10000xi32, #tpu.memory_space<vmem>>[vector<16xi32>], vector<16xi32>,
        %swap3A_232 = arith.constant 1 : i32
        %swap3A_233 = arith.index_cast %swap3A_232 : i32 to index
        %swap3A_234 = arith.constant 64 : index
        %swap3A_235 = tpu.vector_load %arg11[%swap3A_233, %swap3A_234] {strides = array<i32>} : memref<4x80xi32, #tpu.memory_space<vmem>>, vector<16xi32>,
        tpu.vector_store %arg11[%swap3A_233, %swap3A_234], %gather3A_231 {strides = array<i32>} : memref<4x80xi32, #tpu.memory_space<vmem>>, vector<16xi32>,
        %dma_start3A_236 = arith.constant 1 : i32
        %dma_start3A_237 = arith.constant 1 : i32
        %dma_start3A_238 = arith.constant 0 : i32
        %dma_start3A_239 = arith.constant 0 : i32
        %dma_start3A_240 = tpu.memref_slice %arg10[%dma_start3A_236, %dma_start3A_238, %dma_start3A_239] : memref<4x80x128xf32, #tpu.memory_space<vmem>> -> memref<1x80x128xf32, #tpu.memory_space<vmem>>
        %dma_start3A_241 = tpu.memref_squeeze %dma_start3A_240 : memref<1x80x128xf32, #tpu.memory_space<vmem>> -> memref<80x128xf32, #tpu.memory_space<vmem>>
        %dma_start3A_242 = arith.constant 0 : i32
        %dma_start3A_243 = tpu.memref_slice %arg11[%dma_start3A_237, %dma_start3A_242] : memref<4x80xi32, #tpu.memory_space<vmem>> -> memref<1x80xi32, #tpu.memory_space<vmem>>
        %dma_start3A_244 = tpu.memref_squeeze %dma_start3A_243 : memref<1x80xi32, #tpu.memory_space<vmem>> -> memref<80xi32, #tpu.memory_space<vmem>>
        %dma_start3A_245 = arith.constant 0 : i32
        %dma_start3A_246 = arith.constant 0 : i32
        %dma_start3A_247 = tpu.memref_slice %arg12[%dma_start3A_245, %dma_start3A_246] : memref<256x128xf32, #tpu.memory_space<vmem_shared>> -> memref<256x128xf32, #tpu.memory_space<vmem_shared>>
        tpu.enqueue_indirect_dma source(%dma_start3A_241 : memref<80x128xf32, #tpu.memory_space<vmem>>) target(%dma_start3A_247 : memref<256x128xf32, #tpu.memory_space<vmem_shared>>) offsets(%dma_start3A_244 : memref<80xi32, #tpu.memory_space<vmem>>) semaphore(%arg19 : memref<!tpu.dma_semaphore, #tpu.memory_space<semaphore_mem>>) {add = true}
        %get3A_248 = arith.constant 1 : i32
        %get3A_249 = arith.index_cast %get3A_248 : i32 to index
        %get3A_250 = arith.constant 0 : index
        %get3A_251 = tpu.vector_load %arg11[%get3A_249, %get3A_250] {strides = array<i32>} : memref<4x80xi32, #tpu.memory_space<vmem>>, vector<16xi32>,
        %mul3A_252 = arith.constant 16 : i32
        %mul3A_253 = vector.broadcast %mul3A_252 : i32 to vector<16xi32>
        %mul3A_254 = arith.muli %get3A_251, %mul3A_253 : vector<16xi32>
        %add3A_255 = arith.addi %mul3A_254, %iota3A : vector<16xi32>
        tpu.vector_store_idx %arg13[%add3A_255], %broadcast_in_dim3A_8 {add = true} : memref<4096xf32, #tpu.memory_space<vmem>>[vector<16xi32>], vector<16xf32>,
        %get3A_256 = arith.constant 1 : i32
        %get3A_257 = arith.index_cast %get3A_256 : i32 to index
        %get3A_258 = arith.constant 16 : index
        %get3A_259 = tpu.vector_load %arg11[%get3A_257, %get3A_258] {strides = array<i32>} : memref<4x80xi32, #tpu.memory_space<vmem>>, vector<16xi32>,
        %mul3A_260 = arith.constant 16 : i32
        %mul3A_261 = vector.broadcast %mul3A_260 : i32 to vector<16xi32>
        %mul3A_262 = arith.muli %get3A_259, %mul3A_261 : vector<16xi32>
        %add3A_263 = arith.addi %mul3A_262, %iota3A : vector<16xi32>
        tpu.vector_store_idx %arg13[%add3A_263], %broadcast_in_dim3A_8 {add = true} : memref<4096xf32, #tpu.memory_space<vmem>>[vector<16xi32>], vector<16xf32>,
        %get3A_264 = arith.constant 1 : i32
        %get3A_265 = arith.index_cast %get3A_264 : i32 to index
        %get3A_266 = arith.constant 32 : index
        %get3A_267 = tpu.vector_load %arg11[%get3A_265, %get3A_266] {strides = array<i32>} : memref<4x80xi32, #tpu.memory_space<vmem>>, vector<16xi32>,
        %mul3A_268 = arith.constant 16 : i32
        %mul3A_269 = vector.broadcast %mul3A_268 : i32 to vector<16xi32>
        %mul3A_270 = arith.muli %get3A_267, %mul3A_269 : vector<16xi32>
        %add3A_271 = arith.addi %mul3A_270, %iota3A : vector<16xi32>
        tpu.vector_store_idx %arg13[%add3A_271], %broadcast_in_dim3A_8 {add = true} : memref<4096xf32, #tpu.memory_space<vmem>>[vector<16xi32>], vector<16xf32>,
        %get3A_272 = arith.constant 1 : i32
        %get3A_273 = arith.index_cast %get3A_272 : i32 to index
        %get3A_274 = arith.constant 48 : index
        %get3A_275 = tpu.vector_load %arg11[%get3A_273, %get3A_274] {strides = array<i32>} : memref<4x80xi32, #tpu.memory_space<vmem>>, vector<16xi32>,
        %mul3A_276 = arith.constant 16 : i32
        %mul3A_277 = vector.broadcast %mul3A_276 : i32 to vector<16xi32>
        %mul3A_278 = arith.muli %get3A_275, %mul3A_277 : vector<16xi32>
        %add3A_279 = arith.addi %mul3A_278, %iota3A : vector<16xi32>
        tpu.vector_store_idx %arg13[%add3A_279], %broadcast_in_dim3A_8 {add = true} : memref<4096xf32, #tpu.memory_space<vmem>>[vector<16xi32>], vector<16xf32>,
        %get3A_280 = arith.constant 1 : i32
        %get3A_281 = arith.index_cast %get3A_280 : i32 to index
        %get3A_282 = arith.constant 64 : index
        %get3A_283 = tpu.vector_load %arg11[%get3A_281, %get3A_282] {strides = array<i32>} : memref<4x80xi32, #tpu.memory_space<vmem>>, vector<16xi32>,
        %mul3A_284 = arith.constant 16 : i32
        %mul3A_285 = vector.broadcast %mul3A_284 : i32 to vector<16xi32>
        %mul3A_286 = arith.muli %get3A_283, %mul3A_285 : vector<16xi32>
        %add3A_287 = arith.addi %mul3A_286, %iota3A : vector<16xi32>
        tpu.vector_store_idx %arg13[%add3A_287], %broadcast_in_dim3A_8 {add = true} : memref<4096xf32, #tpu.memory_space<vmem>>[vector<16xi32>], vector<16xf32>,
      } else {
      }
      %add3A_130 = arith.constant 2 : i32
      %add3A_131 = arith.addi %add3A_124, %add3A_130 : i32
      %lt3A_132 = arith.constant 75 : i32
      %lt3A_133 = arith.cmpi slt, %add3A_131, %lt3A_132 : i32
      %convert_element_type3A_134 = arith.extui %lt3A_133 : i1 to i32
      %cond3A_135 = arith.constant 0 : i32
      %cond3A_136 = arith.cmpi ne, %convert_element_type3A_134, %cond3A_135 : i32
      scf.if %cond3A_136 {
        %ge3A = arith.constant 2 : i32
        %ge3A_169 = arith.cmpi sge, %add3A_124, %ge3A : i32
        %convert_element_type3A_170 = arith.extui %ge3A_169 : i1 to i32
        %cond3A_171 = arith.constant 0 : i32
        %cond3A_172 = arith.cmpi ne, %convert_element_type3A_170, %cond3A_171 : i32
        scf.if %cond3A_172 {
          %dma_wait3A_191 = arith.constant 3 : i32
          %dma_wait3A_192 = arith.constant 3 : i32
          %dma_wait3A_193 = arith.constant 0 : i32
          %dma_wait3A_194 = arith.constant 0 : i32
          %dma_wait3A_195 = tpu.memref_slice %arg10[%dma_wait3A_191, %dma_wait3A_193, %dma_wait3A_194] : memref<4x80x128xf32, #tpu.memory_space<vmem>> -> memref<1x80x128xf32, #tpu.memory_space<vmem>>
          %dma_wait3A_196 = tpu.memref_squeeze %dma_wait3A_195 : memref<1x80x128xf32, #tpu.memory_space<vmem>> -> memref<80x128xf32, #tpu.memory_space<vmem>>
          %dma_wait3A_197 = arith.constant 0 : i32
          %dma_wait3A_198 = tpu.memref_slice %arg11[%dma_wait3A_192, %dma_wait3A_197] : memref<4x80xi32, #tpu.memory_space<vmem>> -> memref<1x80xi32, #tpu.memory_space<vmem>>
          %dma_wait3A_199 = tpu.memref_squeeze %dma_wait3A_198 : memref<1x80xi32, #tpu.memory_space<vmem>> -> memref<80xi32, #tpu.memory_space<vmem>>
          %dma_wait3A_200 = arith.constant 0 : i32
          %dma_wait3A_201 = arith.constant 0 : i32
          %dma_wait3A_202 = tpu.memref_slice %arg12[%dma_wait3A_200, %dma_wait3A_201] : memref<256x128xf32, #tpu.memory_space<vmem_shared>> -> memref<256x128xf32, #tpu.memory_space<vmem_shared>>
          tpu.wait_indirect_dma semaphore(%arg21 : memref<!tpu.dma_semaphore, #tpu.memory_space<semaphore_mem>>) src(%dma_wait3A_196 : memref<80x128xf32, #tpu.memory_space<vmem>>) dst(%dma_wait3A_202 : memref<256x128xf32, #tpu.memory_space<vmem_shared>>)
        } else {
        }
        %add3A_173 = arith.constant 2 : i32
        %add3A_174 = arith.addi %add3A_124, %add3A_173 : i32
        %mul3A_175 = arith.constant 80 : i32
        %mul3A_176 = arith.muli %add3A_174, %mul3A_175 : i32
        %add3A_177 = arith.addi %mul3A_2, %mul3A_176 : i32
        %dma_start3A_178 = arith.constant 3 : i32
        %dma_start3A_179 = arith.constant 0 : i32
        %dma_start3A_180 = arith.constant 0 : i32
        %dma_start3A_181 = tpu.memref_slice %arg10[%dma_start3A_178, %dma_start3A_179, %dma_start3A_180] : memref<4x80x128xf32, #tpu.memory_space<vmem>> -> memref<1x80x128xf32, #tpu.memory_space<vmem>>
        %dma_start3A_182 = tpu.memref_squeeze %dma_start3A_181 : memref<1x80x128xf32, #tpu.memory_space<vmem>> -> memref<80x128xf32, #tpu.memory_space<vmem>>
        %dma_start3A_183 = arith.constant 0 : i32
        %dma_start3A_184 = tpu.memref_slice %arg4[%add3A_177, %dma_start3A_183] : memref<320000x128xf32, #tpu.memory_space<hbm>> -> memref<80x128xf32, #tpu.memory_space<hbm>>
        %dma_start3A_185 = arith.constant 0 : i32
        %dma_start3A_186 = arith.constant 0 : i32
        %dma_start3A_187 = tpu.memref_slice %arg10[%dma_start3A_178, %dma_start3A_185, %dma_start3A_186] : memref<4x80x128xf32, #tpu.memory_space<vmem>> -> memref<1x80x128xf32, #tpu.memory_space<vmem>>
        %dma_start3A_188 = tpu.memref_squeeze %dma_start3A_187 : memref<1x80x128xf32, #tpu.memory_space<vmem>> -> memref<80x128xf32, #tpu.memory_space<vmem>>
        %dma_start3A_189 = arith.constant 0 : i32
        %dma_start3A_190 = tpu.memref_slice %arg4[%add3A_177, %dma_start3A_189] : memref<320000x128xf32, #tpu.memory_space<hbm>> -> memref<80x128xf32, #tpu.memory_space<hbm>>
        tpu.enqueue_dma source(%dma_start3A_190 : memref<80x128xf32, #tpu.memory_space<hbm>>) target(%dma_start3A_188 : memref<80x128xf32, #tpu.memory_space<vmem>>) target_semaphore(%arg17 : memref<!tpu.dma_semaphore, #tpu.memory_space<semaphore_mem>>)
      } else {
      }
      %mul3A_137 = arith.constant 4 : i32
      %mul3A_138 = arith.muli %scan3A_105, %mul3A_137 : i32
      %add3A_139 = arith.constant 2 : i32
      %add3A_140 = arith.addi %mul3A_138, %add3A_139 : i32
      %lt3A_141 = arith.constant 75 : i32
      %lt3A_142 = arith.cmpi slt, %add3A_140, %lt3A_141 : i32
      %convert_element_type3A_143 = arith.extui %lt3A_142 : i1 to i32
      %cond3A_144 = arith.constant 0 : i32
      %cond3A_145 = arith.cmpi ne, %convert_element_type3A_143, %cond3A_144 : i32
      scf.if %cond3A_145 {
        %add3A_169 = arith.constant 0 : i32
        %add3A_170 = arith.addi %mul3A_2, %add3A_169 : i32
        %dma_wait3A_171 = arith.constant 2 : i32
        %dma_wait3A_172 = arith.constant 0 : i32
        %dma_wait3A_173 = arith.constant 0 : i32
        %dma_wait3A_174 = tpu.memref_slice %arg10[%dma_wait3A_171, %dma_wait3A_172, %dma_wait3A_173] : memref<4x80x128xf32, #tpu.memory_space<vmem>> -> memref<1x80x128xf32, #tpu.memory_space<vmem>>
        %dma_wait3A_175 = tpu.memref_squeeze %dma_wait3A_174 : memref<1x80x128xf32, #tpu.memory_space<vmem>> -> memref<80x128xf32, #tpu.memory_space<vmem>>
        %dma_wait3A_176 = arith.constant 0 : i32
        %dma_wait3A_177 = tpu.memref_slice %arg4[%add3A_170, %dma_wait3A_176] : memref<320000x128xf32, #tpu.memory_space<hbm>> -> memref<80x128xf32, #tpu.memory_space<hbm>>
        %dma_wait3A_178 = arith.constant 0 : i32
        %dma_wait3A_179 = arith.constant 0 : i32
        %dma_wait3A_180 = tpu.memref_slice %arg10[%dma_wait3A_171, %dma_wait3A_178, %dma_wait3A_179] : memref<4x80x128xf32, #tpu.memory_space<vmem>> -> memref<1x80x128xf32, #tpu.memory_space<vmem>>
        %dma_wait3A_181 = tpu.memref_squeeze %dma_wait3A_180 : memref<1x80x128xf32, #tpu.memory_space<vmem>> -> memref<80x128xf32, #tpu.memory_space<vmem>>
        %dma_wait3A_182 = arith.constant 0 : i32
        %dma_wait3A_183 = tpu.memref_slice %arg4[%add3A_170, %dma_wait3A_182] : memref<320000x128xf32, #tpu.memory_space<hbm>> -> memref<80x128xf32, #tpu.memory_space<hbm>>
        tpu.wait_dma2 semaphore(%arg16 : memref<!tpu.dma_semaphore, #tpu.memory_space<semaphore_mem>>) src(%dma_wait3A_183 : memref<80x128xf32, #tpu.memory_space<hbm>>) dst(%dma_wait3A_181 : memref<80x128xf32, #tpu.memory_space<vmem>>)
        %mul3A_184 = arith.constant 80 : i32
        %mul3A_185 = arith.muli %add3A_140, %mul3A_184 : i32
        %add3A_186 = arith.constant 0 : i32
        %add3A_187 = arith.addi %mul3A_185, %add3A_186 : i32
        %get3A = arith.index_cast %add3A_187 : i32 to index
        %get3A_188 = tpu.vector_load %arg9[%get3A] {strides = array<i32>} : memref<6000xi32, #tpu.memory_space<vmem>>, vector<16xi32>,
        %gather3A = tpu.vector_load_idx %arg8[%get3A_188] : memref<10000xi32, #tpu.memory_space<vmem>>[vector<16xi32>], vector<16xi32>,
        %swap3A = arith.constant 2 : i32
        %swap3A_189 = arith.index_cast %swap3A : i32 to index
        %swap3A_190 = arith.constant 0 : index
        %swap3A_191 = tpu.vector_load %arg11[%swap3A_189, %swap3A_190] {strides = array<i32>} : memref<4x80xi32, #tpu.memory_space<vmem>>, vector<16xi32>,
        tpu.vector_store %arg11[%swap3A_189, %swap3A_190], %gather3A {strides = array<i32>} : memref<4x80xi32, #tpu.memory_space<vmem>>, vector<16xi32>,
        %mul3A_192 = arith.constant 80 : i32
        %mul3A_193 = arith.muli %add3A_140, %mul3A_192 : i32
        %add3A_194 = arith.constant 16 : i32
        %add3A_195 = arith.addi %mul3A_193, %add3A_194 : i32
        %get3A_196 = arith.index_cast %add3A_195 : i32 to index
        %get3A_197 = tpu.vector_load %arg9[%get3A_196] {strides = array<i32>} : memref<6000xi32, #tpu.memory_space<vmem>>, vector<16xi32>,
        %gather3A_198 = tpu.vector_load_idx %arg8[%get3A_197] : memref<10000xi32, #tpu.memory_space<vmem>>[vector<16xi32>], vector<16xi32>,
        %swap3A_199 = arith.constant 2 : i32
        %swap3A_200 = arith.index_cast %swap3A_199 : i32 to index
        %swap3A_201 = arith.constant 16 : index
        %swap3A_202 = tpu.vector_load %arg11[%swap3A_200, %swap3A_201] {strides = array<i32>} : memref<4x80xi32, #tpu.memory_space<vmem>>, vector<16xi32>,
        tpu.vector_store %arg11[%swap3A_200, %swap3A_201], %gather3A_198 {strides = array<i32>} : memref<4x80xi32, #tpu.memory_space<vmem>>, vector<16xi32>,
        %mul3A_203 = arith.constant 80 : i32
        %mul3A_204 = arith.muli %add3A_140, %mul3A_203 : i32
        %add3A_205 = arith.constant 32 : i32
        %add3A_206 = arith.addi %mul3A_204, %add3A_205 : i32
        %get3A_207 = arith.index_cast %add3A_206 : i32 to index
        %get3A_208 = tpu.vector_load %arg9[%get3A_207] {strides = array<i32>} : memref<6000xi32, #tpu.memory_space<vmem>>, vector<16xi32>,
        %gather3A_209 = tpu.vector_load_idx %arg8[%get3A_208] : memref<10000xi32, #tpu.memory_space<vmem>>[vector<16xi32>], vector<16xi32>,
        %swap3A_210 = arith.constant 2 : i32
        %swap3A_211 = arith.index_cast %swap3A_210 : i32 to index
        %swap3A_212 = arith.constant 32 : index
        %swap3A_213 = tpu.vector_load %arg11[%swap3A_211, %swap3A_212] {strides = array<i32>} : memref<4x80xi32, #tpu.memory_space<vmem>>, vector<16xi32>,
        tpu.vector_store %arg11[%swap3A_211, %swap3A_212], %gather3A_209 {strides = array<i32>} : memref<4x80xi32, #tpu.memory_space<vmem>>, vector<16xi32>,
        %mul3A_214 = arith.constant 80 : i32
        %mul3A_215 = arith.muli %add3A_140, %mul3A_214 : i32
        %add3A_216 = arith.constant 48 : i32
        %add3A_217 = arith.addi %mul3A_215, %add3A_216 : i32
        %get3A_218 = arith.index_cast %add3A_217 : i32 to index
        %get3A_219 = tpu.vector_load %arg9[%get3A_218] {strides = array<i32>} : memref<6000xi32, #tpu.memory_space<vmem>>, vector<16xi32>,
        %gather3A_220 = tpu.vector_load_idx %arg8[%get3A_219] : memref<10000xi32, #tpu.memory_space<vmem>>[vector<16xi32>], vector<16xi32>,
        %swap3A_221 = arith.constant 2 : i32
        %swap3A_222 = arith.index_cast %swap3A_221 : i32 to index
        %swap3A_223 = arith.constant 48 : index
        %swap3A_224 = tpu.vector_load %arg11[%swap3A_222, %swap3A_223] {strides = array<i32>} : memref<4x80xi32, #tpu.memory_space<vmem>>, vector<16xi32>,
        tpu.vector_store %arg11[%swap3A_222, %swap3A_223], %gather3A_220 {strides = array<i32>} : memref<4x80xi32, #tpu.memory_space<vmem>>, vector<16xi32>,
        %mul3A_225 = arith.constant 80 : i32
        %mul3A_226 = arith.muli %add3A_140, %mul3A_225 : i32
        %add3A_227 = arith.constant 64 : i32
        %add3A_228 = arith.addi %mul3A_226, %add3A_227 : i32
        %get3A_229 = arith.index_cast %add3A_228 : i32 to index
        %get3A_230 = tpu.vector_load %arg9[%get3A_229] {strides = array<i32>} : memref<6000xi32, #tpu.memory_space<vmem>>, vector<16xi32>,
        %gather3A_231 = tpu.vector_load_idx %arg8[%get3A_230] : memref<10000xi32, #tpu.memory_space<vmem>>[vector<16xi32>], vector<16xi32>,
        %swap3A_232 = arith.constant 2 : i32
        %swap3A_233 = arith.index_cast %swap3A_232 : i32 to index
        %swap3A_234 = arith.constant 64 : index
        %swap3A_235 = tpu.vector_load %arg11[%swap3A_233, %swap3A_234] {strides = array<i32>} : memref<4x80xi32, #tpu.memory_space<vmem>>, vector<16xi32>,
        tpu.vector_store %arg11[%swap3A_233, %swap3A_234], %gather3A_231 {strides = array<i32>} : memref<4x80xi32, #tpu.memory_space<vmem>>, vector<16xi32>,
        %dma_start3A_236 = arith.constant 2 : i32
        %dma_start3A_237 = arith.constant 2 : i32
        %dma_start3A_238 = arith.constant 0 : i32
        %dma_start3A_239 = arith.constant 0 : i32
        %dma_start3A_240 = tpu.memref_slice %arg10[%dma_start3A_236, %dma_start3A_238, %dma_start3A_239] : memref<4x80x128xf32, #tpu.memory_space<vmem>> -> memref<1x80x128xf32, #tpu.memory_space<vmem>>
        %dma_start3A_241 = tpu.memref_squeeze %dma_start3A_240 : memref<1x80x128xf32, #tpu.memory_space<vmem>> -> memref<80x128xf32, #tpu.memory_space<vmem>>
        %dma_start3A_242 = arith.constant 0 : i32
        %dma_start3A_243 = tpu.memref_slice %arg11[%dma_start3A_237, %dma_start3A_242] : memref<4x80xi32, #tpu.memory_space<vmem>> -> memref<1x80xi32, #tpu.memory_space<vmem>>
        %dma_start3A_244 = tpu.memref_squeeze %dma_start3A_243 : memref<1x80xi32, #tpu.memory_space<vmem>> -> memref<80xi32, #tpu.memory_space<vmem>>
        %dma_start3A_245 = arith.constant 0 : i32
        %dma_start3A_246 = arith.constant 0 : i32
        %dma_start3A_247 = tpu.memref_slice %arg12[%dma_start3A_245, %dma_start3A_246] : memref<256x128xf32, #tpu.memory_space<vmem_shared>> -> memref<256x128xf32, #tpu.memory_space<vmem_shared>>
        tpu.enqueue_indirect_dma source(%dma_start3A_241 : memref<80x128xf32, #tpu.memory_space<vmem>>) target(%dma_start3A_247 : memref<256x128xf32, #tpu.memory_space<vmem_shared>>) offsets(%dma_start3A_244 : memref<80xi32, #tpu.memory_space<vmem>>) semaphore(%arg20 : memref<!tpu.dma_semaphore, #tpu.memory_space<semaphore_mem>>) {add = true}
        %get3A_248 = arith.constant 2 : i32
        %get3A_249 = arith.index_cast %get3A_248 : i32 to index
        %get3A_250 = arith.constant 0 : index
        %get3A_251 = tpu.vector_load %arg11[%get3A_249, %get3A_250] {strides = array<i32>} : memref<4x80xi32, #tpu.memory_space<vmem>>, vector<16xi32>,
        %mul3A_252 = arith.constant 16 : i32
        %mul3A_253 = vector.broadcast %mul3A_252 : i32 to vector<16xi32>
        %mul3A_254 = arith.muli %get3A_251, %mul3A_253 : vector<16xi32>
        %add3A_255 = arith.addi %mul3A_254, %iota3A : vector<16xi32>
        tpu.vector_store_idx %arg13[%add3A_255], %broadcast_in_dim3A_8 {add = true} : memref<4096xf32, #tpu.memory_space<vmem>>[vector<16xi32>], vector<16xf32>,
        %get3A_256 = arith.constant 2 : i32
        %get3A_257 = arith.index_cast %get3A_256 : i32 to index
        %get3A_258 = arith.constant 16 : index
        %get3A_259 = tpu.vector_load %arg11[%get3A_257, %get3A_258] {strides = array<i32>} : memref<4x80xi32, #tpu.memory_space<vmem>>, vector<16xi32>,
        %mul3A_260 = arith.constant 16 : i32
        %mul3A_261 = vector.broadcast %mul3A_260 : i32 to vector<16xi32>
        %mul3A_262 = arith.muli %get3A_259, %mul3A_261 : vector<16xi32>
        %add3A_263 = arith.addi %mul3A_262, %iota3A : vector<16xi32>
        tpu.vector_store_idx %arg13[%add3A_263], %broadcast_in_dim3A_8 {add = true} : memref<4096xf32, #tpu.memory_space<vmem>>[vector<16xi32>], vector<16xf32>,
        %get3A_264 = arith.constant 2 : i32
        %get3A_265 = arith.index_cast %get3A_264 : i32 to index
        %get3A_266 = arith.constant 32 : index
        %get3A_267 = tpu.vector_load %arg11[%get3A_265, %get3A_266] {strides = array<i32>} : memref<4x80xi32, #tpu.memory_space<vmem>>, vector<16xi32>,
        %mul3A_268 = arith.constant 16 : i32
        %mul3A_269 = vector.broadcast %mul3A_268 : i32 to vector<16xi32>
        %mul3A_270 = arith.muli %get3A_267, %mul3A_269 : vector<16xi32>
        %add3A_271 = arith.addi %mul3A_270, %iota3A : vector<16xi32>
        tpu.vector_store_idx %arg13[%add3A_271], %broadcast_in_dim3A_8 {add = true} : memref<4096xf32, #tpu.memory_space<vmem>>[vector<16xi32>], vector<16xf32>,
        %get3A_272 = arith.constant 2 : i32
        %get3A_273 = arith.index_cast %get3A_272 : i32 to index
        %get3A_274 = arith.constant 48 : index
        %get3A_275 = tpu.vector_load %arg11[%get3A_273, %get3A_274] {strides = array<i32>} : memref<4x80xi32, #tpu.memory_space<vmem>>, vector<16xi32>,
        %mul3A_276 = arith.constant 16 : i32
        %mul3A_277 = vector.broadcast %mul3A_276 : i32 to vector<16xi32>
        %mul3A_278 = arith.muli %get3A_275, %mul3A_277 : vector<16xi32>
        %add3A_279 = arith.addi %mul3A_278, %iota3A : vector<16xi32>
        tpu.vector_store_idx %arg13[%add3A_279], %broadcast_in_dim3A_8 {add = true} : memref<4096xf32, #tpu.memory_space<vmem>>[vector<16xi32>], vector<16xf32>,
        %get3A_280 = arith.constant 2 : i32
        %get3A_281 = arith.index_cast %get3A_280 : i32 to index
        %get3A_282 = arith.constant 64 : index
        %get3A_283 = tpu.vector_load %arg11[%get3A_281, %get3A_282] {strides = array<i32>} : memref<4x80xi32, #tpu.memory_space<vmem>>, vector<16xi32>,
        %mul3A_284 = arith.constant 16 : i32
        %mul3A_285 = vector.broadcast %mul3A_284 : i32 to vector<16xi32>
        %mul3A_286 = arith.muli %get3A_283, %mul3A_285 : vector<16xi32>
        %add3A_287 = arith.addi %mul3A_286, %iota3A : vector<16xi32>
        tpu.vector_store_idx %arg13[%add3A_287], %broadcast_in_dim3A_8 {add = true} : memref<4096xf32, #tpu.memory_space<vmem>>[vector<16xi32>], vector<16xf32>,
      } else {
      }
      %add3A_146 = arith.constant 2 : i32
      %add3A_147 = arith.addi %add3A_140, %add3A_146 : i32
      %lt3A_148 = arith.constant 75 : i32
      %lt3A_149 = arith.cmpi slt, %add3A_147, %lt3A_148 : i32
      %convert_element_type3A_150 = arith.extui %lt3A_149 : i1 to i32
      %cond3A_151 = arith.constant 0 : i32
      %cond3A_152 = arith.cmpi ne, %convert_element_type3A_150, %cond3A_151 : i32
      scf.if %cond3A_152 {
        %ge3A = arith.constant 2 : i32
        %ge3A_169 = arith.cmpi sge, %add3A_140, %ge3A : i32
        %convert_element_type3A_170 = arith.extui %ge3A_169 : i1 to i32
        %cond3A_171 = arith.constant 0 : i32
        %cond3A_172 = arith.cmpi ne, %convert_element_type3A_170, %cond3A_171 : i32
        scf.if %cond3A_172 {
          %dma_wait3A_191 = arith.constant 0 : i32
          %dma_wait3A_192 = arith.constant 0 : i32
          %dma_wait3A_193 = arith.constant 0 : i32
          %dma_wait3A_194 = arith.constant 0 : i32
          %dma_wait3A_195 = tpu.memref_slice %arg10[%dma_wait3A_191, %dma_wait3A_193, %dma_wait3A_194] : memref<4x80x128xf32, #tpu.memory_space<vmem>> -> memref<1x80x128xf32, #tpu.memory_space<vmem>>
          %dma_wait3A_196 = tpu.memref_squeeze %dma_wait3A_195 : memref<1x80x128xf32, #tpu.memory_space<vmem>> -> memref<80x128xf32, #tpu.memory_space<vmem>>
          %dma_wait3A_197 = arith.constant 0 : i32
          %dma_wait3A_198 = tpu.memref_slice %arg11[%dma_wait3A_192, %dma_wait3A_197] : memref<4x80xi32, #tpu.memory_space<vmem>> -> memref<1x80xi32, #tpu.memory_space<vmem>>
          %dma_wait3A_199 = tpu.memref_squeeze %dma_wait3A_198 : memref<1x80xi32, #tpu.memory_space<vmem>> -> memref<80xi32, #tpu.memory_space<vmem>>
          %dma_wait3A_200 = arith.constant 0 : i32
          %dma_wait3A_201 = arith.constant 0 : i32
          %dma_wait3A_202 = tpu.memref_slice %arg12[%dma_wait3A_200, %dma_wait3A_201] : memref<256x128xf32, #tpu.memory_space<vmem_shared>> -> memref<256x128xf32, #tpu.memory_space<vmem_shared>>
          tpu.wait_indirect_dma semaphore(%arg18 : memref<!tpu.dma_semaphore, #tpu.memory_space<semaphore_mem>>) src(%dma_wait3A_196 : memref<80x128xf32, #tpu.memory_space<vmem>>) dst(%dma_wait3A_202 : memref<256x128xf32, #tpu.memory_space<vmem_shared>>)
        } else {
        }
        %add3A_173 = arith.constant 2 : i32
        %add3A_174 = arith.addi %add3A_140, %add3A_173 : i32
        %mul3A_175 = arith.constant 80 : i32
        %mul3A_176 = arith.muli %add3A_174, %mul3A_175 : i32
        %add3A_177 = arith.addi %mul3A_2, %mul3A_176 : i32
        %dma_start3A_178 = arith.constant 0 : i32
        %dma_start3A_179 = arith.constant 0 : i32
        %dma_start3A_180 = arith.constant 0 : i32
        %dma_start3A_181 = tpu.memref_slice %arg10[%dma_start3A_178, %dma_start3A_179, %dma_start3A_180] : memref<4x80x128xf32, #tpu.memory_space<vmem>> -> memref<1x80x128xf32, #tpu.memory_space<vmem>>
        %dma_start3A_182 = tpu.memref_squeeze %dma_start3A_181 : memref<1x80x128xf32, #tpu.memory_space<vmem>> -> memref<80x128xf32, #tpu.memory_space<vmem>>
        %dma_start3A_183 = arith.constant 0 : i32
        %dma_start3A_184 = tpu.memref_slice %arg4[%add3A_177, %dma_start3A_183] : memref<320000x128xf32, #tpu.memory_space<hbm>> -> memref<80x128xf32, #tpu.memory_space<hbm>>
        %dma_start3A_185 = arith.constant 0 : i32
        %dma_start3A_186 = arith.constant 0 : i32
        %dma_start3A_187 = tpu.memref_slice %arg10[%dma_start3A_178, %dma_start3A_185, %dma_start3A_186] : memref<4x80x128xf32, #tpu.memory_space<vmem>> -> memref<1x80x128xf32, #tpu.memory_space<vmem>>
        %dma_start3A_188 = tpu.memref_squeeze %dma_start3A_187 : memref<1x80x128xf32, #tpu.memory_space<vmem>> -> memref<80x128xf32, #tpu.memory_space<vmem>>
        %dma_start3A_189 = arith.constant 0 : i32
        %dma_start3A_190 = tpu.memref_slice %arg4[%add3A_177, %dma_start3A_189] : memref<320000x128xf32, #tpu.memory_space<hbm>> -> memref<80x128xf32, #tpu.memory_space<hbm>>
        tpu.enqueue_dma source(%dma_start3A_190 : memref<80x128xf32, #tpu.memory_space<hbm>>) target(%dma_start3A_188 : memref<80x128xf32, #tpu.memory_space<vmem>>) target_semaphore(%arg14 : memref<!tpu.dma_semaphore, #tpu.memory_space<semaphore_mem>>)
      } else {
      }
      %mul3A_153 = arith.constant 4 : i32
      %mul3A_154 = arith.muli %scan3A_105, %mul3A_153 : i32
      %add3A_155 = arith.constant 3 : i32
      %add3A_156 = arith.addi %mul3A_154, %add3A_155 : i32
      %lt3A_157 = arith.constant 75 : i32
      %lt3A_158 = arith.cmpi slt, %add3A_156, %lt3A_157 : i32
      %convert_element_type3A_159 = arith.extui %lt3A_158 : i1 to i32
      %cond3A_160 = arith.constant 0 : i32
      %cond3A_161 = arith.cmpi ne, %convert_element_type3A_159, %cond3A_160 : i32
      scf.if %cond3A_161 {
        %add3A_169 = arith.constant 0 : i32
        %add3A_170 = arith.addi %mul3A_2, %add3A_169 : i32
        %dma_wait3A_171 = arith.constant 3 : i32
        %dma_wait3A_172 = arith.constant 0 : i32
        %dma_wait3A_173 = arith.constant 0 : i32
        %dma_wait3A_174 = tpu.memref_slice %arg10[%dma_wait3A_171, %dma_wait3A_172, %dma_wait3A_173] : memref<4x80x128xf32, #tpu.memory_space<vmem>> -> memref<1x80x128xf32, #tpu.memory_space<vmem>>
        %dma_wait3A_175 = tpu.memref_squeeze %dma_wait3A_174 : memref<1x80x128xf32, #tpu.memory_space<vmem>> -> memref<80x128xf32, #tpu.memory_space<vmem>>
        %dma_wait3A_176 = arith.constant 0 : i32
        %dma_wait3A_177 = tpu.memref_slice %arg4[%add3A_170, %dma_wait3A_176] : memref<320000x128xf32, #tpu.memory_space<hbm>> -> memref<80x128xf32, #tpu.memory_space<hbm>>
        %dma_wait3A_178 = arith.constant 0 : i32
        %dma_wait3A_179 = arith.constant 0 : i32
        %dma_wait3A_180 = tpu.memref_slice %arg10[%dma_wait3A_171, %dma_wait3A_178, %dma_wait3A_179] : memref<4x80x128xf32, #tpu.memory_space<vmem>> -> memref<1x80x128xf32, #tpu.memory_space<vmem>>
        %dma_wait3A_181 = tpu.memref_squeeze %dma_wait3A_180 : memref<1x80x128xf32, #tpu.memory_space<vmem>> -> memref<80x128xf32, #tpu.memory_space<vmem>>
        %dma_wait3A_182 = arith.constant 0 : i32
        %dma_wait3A_183 = tpu.memref_slice %arg4[%add3A_170, %dma_wait3A_182] : memref<320000x128xf32, #tpu.memory_space<hbm>> -> memref<80x128xf32, #tpu.memory_space<hbm>>
        tpu.wait_dma2 semaphore(%arg17 : memref<!tpu.dma_semaphore, #tpu.memory_space<semaphore_mem>>) src(%dma_wait3A_183 : memref<80x128xf32, #tpu.memory_space<hbm>>) dst(%dma_wait3A_181 : memref<80x128xf32, #tpu.memory_space<vmem>>)
        %mul3A_184 = arith.constant 80 : i32
        %mul3A_185 = arith.muli %add3A_156, %mul3A_184 : i32
        %add3A_186 = arith.constant 0 : i32
        %add3A_187 = arith.addi %mul3A_185, %add3A_186 : i32
        %get3A = arith.index_cast %add3A_187 : i32 to index
        %get3A_188 = tpu.vector_load %arg9[%get3A] {strides = array<i32>} : memref<6000xi32, #tpu.memory_space<vmem>>, vector<16xi32>,
        %gather3A = tpu.vector_load_idx %arg8[%get3A_188] : memref<10000xi32, #tpu.memory_space<vmem>>[vector<16xi32>], vector<16xi32>,
        %swap3A = arith.constant 3 : i32
        %swap3A_189 = arith.index_cast %swap3A : i32 to index
        %swap3A_190 = arith.constant 0 : index
        %swap3A_191 = tpu.vector_load %arg11[%swap3A_189, %swap3A_190] {strides = array<i32>} : memref<4x80xi32, #tpu.memory_space<vmem>>, vector<16xi32>,
        tpu.vector_store %arg11[%swap3A_189, %swap3A_190], %gather3A {strides = array<i32>} : memref<4x80xi32, #tpu.memory_space<vmem>>, vector<16xi32>,
        %mul3A_192 = arith.constant 80 : i32
        %mul3A_193 = arith.muli %add3A_156, %mul3A_192 : i32
        %add3A_194 = arith.constant 16 : i32
        %add3A_195 = arith.addi %mul3A_193, %add3A_194 : i32
        %get3A_196 = arith.index_cast %add3A_195 : i32 to index
        %get3A_197 = tpu.vector_load %arg9[%get3A_196] {strides = array<i32>} : memref<6000xi32, #tpu.memory_space<vmem>>, vector<16xi32>,
        %gather3A_198 = tpu.vector_load_idx %arg8[%get3A_197] : memref<10000xi32, #tpu.memory_space<vmem>>[vector<16xi32>], vector<16xi32>,
        %swap3A_199 = arith.constant 3 : i32
        %swap3A_200 = arith.index_cast %swap3A_199 : i32 to index
        %swap3A_201 = arith.constant 16 : index
        %swap3A_202 = tpu.vector_load %arg11[%swap3A_200, %swap3A_201] {strides = array<i32>} : memref<4x80xi32, #tpu.memory_space<vmem>>, vector<16xi32>,
        tpu.vector_store %arg11[%swap3A_200, %swap3A_201], %gather3A_198 {strides = array<i32>} : memref<4x80xi32, #tpu.memory_space<vmem>>, vector<16xi32>,
        %mul3A_203 = arith.constant 80 : i32
        %mul3A_204 = arith.muli %add3A_156, %mul3A_203 : i32
        %add3A_205 = arith.constant 32 : i32
        %add3A_206 = arith.addi %mul3A_204, %add3A_205 : i32
        %get3A_207 = arith.index_cast %add3A_206 : i32 to index
        %get3A_208 = tpu.vector_load %arg9[%get3A_207] {strides = array<i32>} : memref<6000xi32, #tpu.memory_space<vmem>>, vector<16xi32>,
        %gather3A_209 = tpu.vector_load_idx %arg8[%get3A_208] : memref<10000xi32, #tpu.memory_space<vmem>>[vector<16xi32>], vector<16xi32>,
        %swap3A_210 = arith.constant 3 : i32
        %swap3A_211 = arith.index_cast %swap3A_210 : i32 to index
        %swap3A_212 = arith.constant 32 : index
        %swap3A_213 = tpu.vector_load %arg11[%swap3A_211, %swap3A_212] {strides = array<i32>} : memref<4x80xi32, #tpu.memory_space<vmem>>, vector<16xi32>,
        tpu.vector_store %arg11[%swap3A_211, %swap3A_212], %gather3A_209 {strides = array<i32>} : memref<4x80xi32, #tpu.memory_space<vmem>>, vector<16xi32>,
        %mul3A_214 = arith.constant 80 : i32
        %mul3A_215 = arith.muli %add3A_156, %mul3A_214 : i32
        %add3A_216 = arith.constant 48 : i32
        %add3A_217 = arith.addi %mul3A_215, %add3A_216 : i32
        %get3A_218 = arith.index_cast %add3A_217 : i32 to index
        %get3A_219 = tpu.vector_load %arg9[%get3A_218] {strides = array<i32>} : memref<6000xi32, #tpu.memory_space<vmem>>, vector<16xi32>,
        %gather3A_220 = tpu.vector_load_idx %arg8[%get3A_219] : memref<10000xi32, #tpu.memory_space<vmem>>[vector<16xi32>], vector<16xi32>,
        %swap3A_221 = arith.constant 3 : i32
        %swap3A_222 = arith.index_cast %swap3A_221 : i32 to index
        %swap3A_223 = arith.constant 48 : index
        %swap3A_224 = tpu.vector_load %arg11[%swap3A_222, %swap3A_223] {strides = array<i32>} : memref<4x80xi32, #tpu.memory_space<vmem>>, vector<16xi32>,
        tpu.vector_store %arg11[%swap3A_222, %swap3A_223], %gather3A_220 {strides = array<i32>} : memref<4x80xi32, #tpu.memory_space<vmem>>, vector<16xi32>,
        %mul3A_225 = arith.constant 80 : i32
        %mul3A_226 = arith.muli %add3A_156, %mul3A_225 : i32
        %add3A_227 = arith.constant 64 : i32
        %add3A_228 = arith.addi %mul3A_226, %add3A_227 : i32
        %get3A_229 = arith.index_cast %add3A_228 : i32 to index
        %get3A_230 = tpu.vector_load %arg9[%get3A_229] {strides = array<i32>} : memref<6000xi32, #tpu.memory_space<vmem>>, vector<16xi32>,
        %gather3A_231 = tpu.vector_load_idx %arg8[%get3A_230] : memref<10000xi32, #tpu.memory_space<vmem>>[vector<16xi32>], vector<16xi32>,
        %swap3A_232 = arith.constant 3 : i32
        %swap3A_233 = arith.index_cast %swap3A_232 : i32 to index
        %swap3A_234 = arith.constant 64 : index
        %swap3A_235 = tpu.vector_load %arg11[%swap3A_233, %swap3A_234] {strides = array<i32>} : memref<4x80xi32, #tpu.memory_space<vmem>>, vector<16xi32>,
        tpu.vector_store %arg11[%swap3A_233, %swap3A_234], %gather3A_231 {strides = array<i32>} : memref<4x80xi32, #tpu.memory_space<vmem>>, vector<16xi32>,
        %dma_start3A_236 = arith.constant 3 : i32
        %dma_start3A_237 = arith.constant 3 : i32
        %dma_start3A_238 = arith.constant 0 : i32
        %dma_start3A_239 = arith.constant 0 : i32
        %dma_start3A_240 = tpu.memref_slice %arg10[%dma_start3A_236, %dma_start3A_238, %dma_start3A_239] : memref<4x80x128xf32, #tpu.memory_space<vmem>> -> memref<1x80x128xf32, #tpu.memory_space<vmem>>
        %dma_start3A_241 = tpu.memref_squeeze %dma_start3A_240 : memref<1x80x128xf32, #tpu.memory_space<vmem>> -> memref<80x128xf32, #tpu.memory_space<vmem>>
        %dma_start3A_242 = arith.constant 0 : i32
        %dma_start3A_243 = tpu.memref_slice %arg11[%dma_start3A_237, %dma_start3A_242] : memref<4x80xi32, #tpu.memory_space<vmem>> -> memref<1x80xi32, #tpu.memory_space<vmem>>
        %dma_start3A_244 = tpu.memref_squeeze %dma_start3A_243 : memref<1x80xi32, #tpu.memory_space<vmem>> -> memref<80xi32, #tpu.memory_space<vmem>>
        %dma_start3A_245 = arith.constant 0 : i32
        %dma_start3A_246 = arith.constant 0 : i32
        %dma_start3A_247 = tpu.memref_slice %arg12[%dma_start3A_245, %dma_start3A_246] : memref<256x128xf32, #tpu.memory_space<vmem_shared>> -> memref<256x128xf32, #tpu.memory_space<vmem_shared>>
        tpu.enqueue_indirect_dma source(%dma_start3A_241 : memref<80x128xf32, #tpu.memory_space<vmem>>) target(%dma_start3A_247 : memref<256x128xf32, #tpu.memory_space<vmem_shared>>) offsets(%dma_start3A_244 : memref<80xi32, #tpu.memory_space<vmem>>) semaphore(%arg21 : memref<!tpu.dma_semaphore, #tpu.memory_space<semaphore_mem>>) {add = true}
        %get3A_248 = arith.constant 3 : i32
        %get3A_249 = arith.index_cast %get3A_248 : i32 to index
        %get3A_250 = arith.constant 0 : index
        %get3A_251 = tpu.vector_load %arg11[%get3A_249, %get3A_250] {strides = array<i32>} : memref<4x80xi32, #tpu.memory_space<vmem>>, vector<16xi32>,
        %mul3A_252 = arith.constant 16 : i32
        %mul3A_253 = vector.broadcast %mul3A_252 : i32 to vector<16xi32>
        %mul3A_254 = arith.muli %get3A_251, %mul3A_253 : vector<16xi32>
        %add3A_255 = arith.addi %mul3A_254, %iota3A : vector<16xi32>
        tpu.vector_store_idx %arg13[%add3A_255], %broadcast_in_dim3A_8 {add = true} : memref<4096xf32, #tpu.memory_space<vmem>>[vector<16xi32>], vector<16xf32>,
        %get3A_256 = arith.constant 3 : i32
        %get3A_257 = arith.index_cast %get3A_256 : i32 to index
        %get3A_258 = arith.constant 16 : index
        %get3A_259 = tpu.vector_load %arg11[%get3A_257, %get3A_258] {strides = array<i32>} : memref<4x80xi32, #tpu.memory_space<vmem>>, vector<16xi32>,
        %mul3A_260 = arith.constant 16 : i32
        %mul3A_261 = vector.broadcast %mul3A_260 : i32 to vector<16xi32>
        %mul3A_262 = arith.muli %get3A_259, %mul3A_261 : vector<16xi32>
        %add3A_263 = arith.addi %mul3A_262, %iota3A : vector<16xi32>
        tpu.vector_store_idx %arg13[%add3A_263], %broadcast_in_dim3A_8 {add = true} : memref<4096xf32, #tpu.memory_space<vmem>>[vector<16xi32>], vector<16xf32>,
        %get3A_264 = arith.constant 3 : i32
        %get3A_265 = arith.index_cast %get3A_264 : i32 to index
        %get3A_266 = arith.constant 32 : index
        %get3A_267 = tpu.vector_load %arg11[%get3A_265, %get3A_266] {strides = array<i32>} : memref<4x80xi32, #tpu.memory_space<vmem>>, vector<16xi32>,
        %mul3A_268 = arith.constant 16 : i32
        %mul3A_269 = vector.broadcast %mul3A_268 : i32 to vector<16xi32>
        %mul3A_270 = arith.muli %get3A_267, %mul3A_269 : vector<16xi32>
        %add3A_271 = arith.addi %mul3A_270, %iota3A : vector<16xi32>
        tpu.vector_store_idx %arg13[%add3A_271], %broadcast_in_dim3A_8 {add = true} : memref<4096xf32, #tpu.memory_space<vmem>>[vector<16xi32>], vector<16xf32>,
        %get3A_272 = arith.constant 3 : i32
        %get3A_273 = arith.index_cast %get3A_272 : i32 to index
        %get3A_274 = arith.constant 48 : index
        %get3A_275 = tpu.vector_load %arg11[%get3A_273, %get3A_274] {strides = array<i32>} : memref<4x80xi32, #tpu.memory_space<vmem>>, vector<16xi32>,
        %mul3A_276 = arith.constant 16 : i32
        %mul3A_277 = vector.broadcast %mul3A_276 : i32 to vector<16xi32>
        %mul3A_278 = arith.muli %get3A_275, %mul3A_277 : vector<16xi32>
        %add3A_279 = arith.addi %mul3A_278, %iota3A : vector<16xi32>
        tpu.vector_store_idx %arg13[%add3A_279], %broadcast_in_dim3A_8 {add = true} : memref<4096xf32, #tpu.memory_space<vmem>>[vector<16xi32>], vector<16xf32>,
        %get3A_280 = arith.constant 3 : i32
        %get3A_281 = arith.index_cast %get3A_280 : i32 to index
        %get3A_282 = arith.constant 64 : index
        %get3A_283 = tpu.vector_load %arg11[%get3A_281, %get3A_282] {strides = array<i32>} : memref<4x80xi32, #tpu.memory_space<vmem>>, vector<16xi32>,
        %mul3A_284 = arith.constant 16 : i32
        %mul3A_285 = vector.broadcast %mul3A_284 : i32 to vector<16xi32>
        %mul3A_286 = arith.muli %get3A_283, %mul3A_285 : vector<16xi32>
        %add3A_287 = arith.addi %mul3A_286, %iota3A : vector<16xi32>
        tpu.vector_store_idx %arg13[%add3A_287], %broadcast_in_dim3A_8 {add = true} : memref<4096xf32, #tpu.memory_space<vmem>>[vector<16xi32>], vector<16xf32>,
      } else {
      }
      %add3A_162 = arith.constant 2 : i32
      %add3A_163 = arith.addi %add3A_156, %add3A_162 : i32
      %lt3A_164 = arith.constant 75 : i32
      %lt3A_165 = arith.cmpi slt, %add3A_163, %lt3A_164 : i32
      %convert_element_type3A_166 = arith.extui %lt3A_165 : i1 to i32
      %cond3A_167 = arith.constant 0 : i32
      %cond3A_168 = arith.cmpi ne, %convert_element_type3A_166, %cond3A_167 : i32
      scf.if %cond3A_168 {
        %ge3A = arith.constant 2 : i32
        %ge3A_169 = arith.cmpi sge, %add3A_156, %ge3A : i32
        %convert_element_type3A_170 = arith.extui %ge3A_169 : i1 to i32
        %cond3A_171 = arith.constant 0 : i32
        %cond3A_172 = arith.cmpi ne, %convert_element_type3A_170, %cond3A_171 : i32
        scf.if %cond3A_172 {
          %dma_wait3A_191 = arith.constant 1 : i32
          %dma_wait3A_192 = arith.constant 1 : i32
          %dma_wait3A_193 = arith.constant 0 : i32
          %dma_wait3A_194 = arith.constant 0 : i32
          %dma_wait3A_195 = tpu.memref_slice %arg10[%dma_wait3A_191, %dma_wait3A_193, %dma_wait3A_194] : memref<4x80x128xf32, #tpu.memory_space<vmem>> -> memref<1x80x128xf32, #tpu.memory_space<vmem>>
          %dma_wait3A_196 = tpu.memref_squeeze %dma_wait3A_195 : memref<1x80x128xf32, #tpu.memory_space<vmem>> -> memref<80x128xf32, #tpu.memory_space<vmem>>
          %dma_wait3A_197 = arith.constant 0 : i32
          %dma_wait3A_198 = tpu.memref_slice %arg11[%dma_wait3A_192, %dma_wait3A_197] : memref<4x80xi32, #tpu.memory_space<vmem>> -> memref<1x80xi32, #tpu.memory_space<vmem>>
          %dma_wait3A_199 = tpu.memref_squeeze %dma_wait3A_198 : memref<1x80xi32, #tpu.memory_space<vmem>> -> memref<80xi32, #tpu.memory_space<vmem>>
          %dma_wait3A_200 = arith.constant 0 : i32
          %dma_wait3A_201 = arith.constant 0 : i32
          %dma_wait3A_202 = tpu.memref_slice %arg12[%dma_wait3A_200, %dma_wait3A_201] : memref<256x128xf32, #tpu.memory_space<vmem_shared>> -> memref<256x128xf32, #tpu.memory_space<vmem_shared>>
          tpu.wait_indirect_dma semaphore(%arg19 : memref<!tpu.dma_semaphore, #tpu.memory_space<semaphore_mem>>) src(%dma_wait3A_196 : memref<80x128xf32, #tpu.memory_space<vmem>>) dst(%dma_wait3A_202 : memref<256x128xf32, #tpu.memory_space<vmem_shared>>)
        } else {
        }
        %add3A_173 = arith.constant 2 : i32
        %add3A_174 = arith.addi %add3A_156, %add3A_173 : i32
        %mul3A_175 = arith.constant 80 : i32
        %mul3A_176 = arith.muli %add3A_174, %mul3A_175 : i32
        %add3A_177 = arith.addi %mul3A_2, %mul3A_176 : i32
        %dma_start3A_178 = arith.constant 1 : i32
        %dma_start3A_179 = arith.constant 0 : i32
        %dma_start3A_180 = arith.constant 0 : i32
        %dma_start3A_181 = tpu.memref_slice %arg10[%dma_start3A_178, %dma_start3A_179, %dma_start3A_180] : memref<4x80x128xf32, #tpu.memory_space<vmem>> -> memref<1x80x128xf32, #tpu.memory_space<vmem>>
        %dma_start3A_182 = tpu.memref_squeeze %dma_start3A_181 : memref<1x80x128xf32, #tpu.memory_space<vmem>> -> memref<80x128xf32, #tpu.memory_space<vmem>>
        %dma_start3A_183 = arith.constant 0 : i32
        %dma_start3A_184 = tpu.memref_slice %arg4[%add3A_177, %dma_start3A_183] : memref<320000x128xf32, #tpu.memory_space<hbm>> -> memref<80x128xf32, #tpu.memory_space<hbm>>
        %dma_start3A_185 = arith.constant 0 : i32
        %dma_start3A_186 = arith.constant 0 : i32
        %dma_start3A_187 = tpu.memref_slice %arg10[%dma_start3A_178, %dma_start3A_185, %dma_start3A_186] : memref<4x80x128xf32, #tpu.memory_space<vmem>> -> memref<1x80x128xf32, #tpu.memory_space<vmem>>
        %dma_start3A_188 = tpu.memref_squeeze %dma_start3A_187 : memref<1x80x128xf32, #tpu.memory_space<vmem>> -> memref<80x128xf32, #tpu.memory_space<vmem>>
        %dma_start3A_189 = arith.constant 0 : i32
        %dma_start3A_190 = tpu.memref_slice %arg4[%add3A_177, %dma_start3A_189] : memref<320000x128xf32, #tpu.memory_space<hbm>> -> memref<80x128xf32, #tpu.memory_space<hbm>>
        tpu.enqueue_dma source(%dma_start3A_190 : memref<80x128xf32, #tpu.memory_space<hbm>>) target(%dma_start3A_188 : memref<80x128xf32, #tpu.memory_space<vmem>>) target_semaphore(%arg15 : memref<!tpu.dma_semaphore, #tpu.memory_space<semaphore_mem>>)
      } else {
      }
    }
    %scan3A_50 = arith.constant 19 : i32
    %dma_wait3A_51 = arith.constant 0 : i32
    %dma_wait3A_52 = arith.constant 0 : i32
    %dma_wait3A_53 = arith.constant 0 : i32
    %dma_wait3A_54 = arith.constant 0 : i32
    %dma_wait3A_55 = tpu.memref_slice %arg10[%dma_wait3A_51, %dma_wait3A_53, %dma_wait3A_54] : memref<4x80x128xf32, #tpu.memory_space<vmem>> -> memref<1x80x128xf32, #tpu.memory_space<vmem>>
    %dma_wait3A_56 = tpu.memref_squeeze %dma_wait3A_55 : memref<1x80x128xf32, #tpu.memory_space<vmem>> -> memref<80x128xf32, #tpu.memory_space<vmem>>
    %dma_wait3A_57 = arith.constant 0 : i32
    %dma_wait3A_58 = tpu.memref_slice %arg11[%dma_wait3A_52, %dma_wait3A_57] : memref<4x80xi32, #tpu.memory_space<vmem>> -> memref<1x80xi32, #tpu.memory_space<vmem>>
    %dma_wait3A_59 = tpu.memref_squeeze %dma_wait3A_58 : memref<1x80xi32, #tpu.memory_space<vmem>> -> memref<80xi32, #tpu.memory_space<vmem>>
    %dma_wait3A_60 = arith.constant 0 : i32
    %dma_wait3A_61 = arith.constant 0 : i32
    %dma_wait3A_62 = tpu.memref_slice %arg12[%dma_wait3A_60, %dma_wait3A_61] : memref<256x128xf32, #tpu.memory_space<vmem_shared>> -> memref<256x128xf32, #tpu.memory_space<vmem_shared>>
    tpu.wait_indirect_dma semaphore(%arg18 : memref<!tpu.dma_semaphore, #tpu.memory_space<semaphore_mem>>) src(%dma_wait3A_56 : memref<80x128xf32, #tpu.memory_space<vmem>>) dst(%dma_wait3A_62 : memref<256x128xf32, #tpu.memory_space<vmem_shared>>)
    %dma_wait3A_63 = arith.constant 1 : i32
    %dma_wait3A_64 = arith.constant 1 : i32
    %dma_wait3A_65 = arith.constant 0 : i32
    %dma_wait3A_66 = arith.constant 0 : i32
    %dma_wait3A_67 = tpu.memref_slice %arg10[%dma_wait3A_63, %dma_wait3A_65, %dma_wait3A_66] : memref<4x80x128xf32, #tpu.memory_space<vmem>> -> memref<1x80x128xf32, #tpu.memory_space<vmem>>
    %dma_wait3A_68 = tpu.memref_squeeze %dma_wait3A_67 : memref<1x80x128xf32, #tpu.memory_space<vmem>> -> memref<80x128xf32, #tpu.memory_space<vmem>>
    %dma_wait3A_69 = arith.constant 0 : i32
    %dma_wait3A_70 = tpu.memref_slice %arg11[%dma_wait3A_64, %dma_wait3A_69] : memref<4x80xi32, #tpu.memory_space<vmem>> -> memref<1x80xi32, #tpu.memory_space<vmem>>
    %dma_wait3A_71 = tpu.memref_squeeze %dma_wait3A_70 : memref<1x80xi32, #tpu.memory_space<vmem>> -> memref<80xi32, #tpu.memory_space<vmem>>
    %dma_wait3A_72 = arith.constant 0 : i32
    %dma_wait3A_73 = arith.constant 0 : i32
    %dma_wait3A_74 = tpu.memref_slice %arg12[%dma_wait3A_72, %dma_wait3A_73] : memref<256x128xf32, #tpu.memory_space<vmem_shared>> -> memref<256x128xf32, #tpu.memory_space<vmem_shared>>
    tpu.wait_indirect_dma semaphore(%arg19 : memref<!tpu.dma_semaphore, #tpu.memory_space<semaphore_mem>>) src(%dma_wait3A_68 : memref<80x128xf32, #tpu.memory_space<vmem>>) dst(%dma_wait3A_74 : memref<256x128xf32, #tpu.memory_space<vmem_shared>>)
    %dma_wait3A_75 = arith.constant 2 : i32
    %dma_wait3A_76 = arith.constant 2 : i32
    %dma_wait3A_77 = arith.constant 0 : i32
    %dma_wait3A_78 = arith.constant 0 : i32
    %dma_wait3A_79 = tpu.memref_slice %arg10[%dma_wait3A_75, %dma_wait3A_77, %dma_wait3A_78] : memref<4x80x128xf32, #tpu.memory_space<vmem>> -> memref<1x80x128xf32, #tpu.memory_space<vmem>>
    %dma_wait3A_80 = tpu.memref_squeeze %dma_wait3A_79 : memref<1x80x128xf32, #tpu.memory_space<vmem>> -> memref<80x128xf32, #tpu.memory_space<vmem>>
    %dma_wait3A_81 = arith.constant 0 : i32
    %dma_wait3A_82 = tpu.memref_slice %arg11[%dma_wait3A_76, %dma_wait3A_81] : memref<4x80xi32, #tpu.memory_space<vmem>> -> memref<1x80xi32, #tpu.memory_space<vmem>>
    %dma_wait3A_83 = tpu.memref_squeeze %dma_wait3A_82 : memref<1x80xi32, #tpu.memory_space<vmem>> -> memref<80xi32, #tpu.memory_space<vmem>>
    %dma_wait3A_84 = arith.constant 0 : i32
    %dma_wait3A_85 = arith.constant 0 : i32
    %dma_wait3A_86 = tpu.memref_slice %arg12[%dma_wait3A_84, %dma_wait3A_85] : memref<256x128xf32, #tpu.memory_space<vmem_shared>> -> memref<256x128xf32, #tpu.memory_space<vmem_shared>>
    tpu.wait_indirect_dma semaphore(%arg20 : memref<!tpu.dma_semaphore, #tpu.memory_space<semaphore_mem>>) src(%dma_wait3A_80 : memref<80x128xf32, #tpu.memory_space<vmem>>) dst(%dma_wait3A_86 : memref<256x128xf32, #tpu.memory_space<vmem_shared>>)
    %dma_wait3A_87 = arith.constant 3 : i32
    %dma_wait3A_88 = arith.constant 3 : i32
    %dma_wait3A_89 = arith.constant 0 : i32
    %dma_wait3A_90 = arith.constant 0 : i32
    %dma_wait3A_91 = tpu.memref_slice %arg10[%dma_wait3A_87, %dma_wait3A_89, %dma_wait3A_90] : memref<4x80x128xf32, #tpu.memory_space<vmem>> -> memref<1x80x128xf32, #tpu.memory_space<vmem>>
    %dma_wait3A_92 = tpu.memref_squeeze %dma_wait3A_91 : memref<1x80x128xf32, #tpu.memory_space<vmem>> -> memref<80x128xf32, #tpu.memory_space<vmem>>
    %dma_wait3A_93 = arith.constant 0 : i32
    %dma_wait3A_94 = tpu.memref_slice %arg11[%dma_wait3A_88, %dma_wait3A_93] : memref<4x80xi32, #tpu.memory_space<vmem>> -> memref<1x80xi32, #tpu.memory_space<vmem>>
    %dma_wait3A_95 = tpu.memref_squeeze %dma_wait3A_94 : memref<1x80xi32, #tpu.memory_space<vmem>> -> memref<80xi32, #tpu.memory_space<vmem>>
    %dma_wait3A_96 = arith.constant 0 : i32
    %dma_wait3A_97 = arith.constant 0 : i32
    %dma_wait3A_98 = tpu.memref_slice %arg12[%dma_wait3A_96, %dma_wait3A_97] : memref<256x128xf32, #tpu.memory_space<vmem_shared>> -> memref<256x128xf32, #tpu.memory_space<vmem_shared>>
    tpu.wait_indirect_dma semaphore(%arg21 : memref<!tpu.dma_semaphore, #tpu.memory_space<semaphore_mem>>) src(%dma_wait3A_92 : memref<80x128xf32, #tpu.memory_space<vmem>>) dst(%dma_wait3A_98 : memref<256x128xf32, #tpu.memory_space<vmem_shared>>)
    %barrier3A_99 = arith.constant 0 : index
    tpu.barrier barrier_id(%barrier3A_99)
    %eq3A_100 = arith.constant 0 : i32
    %eq3A_101 = arith.cmpi eq, %arg1, %eq3A_100 : i32
    %convert_element_type3A_102 = arith.extui %eq3A_101 : i1 to i32
    %cond3A_103 = arith.constant 0 : i32
    %cond3A_104 = arith.cmpi ne, %convert_element_type3A_102, %cond3A_103 : i32
    scf.if %cond3A_104 {
      "tpu.region"() ({
        %run_scoped3A = tpu.sem_alloc : memref<!tpu.dma_semaphore, #tpu.memory_space<semaphore_mem>>
        %dma_start3A_105 = arith.constant 0 : i32
        %dma_start3A_106 = arith.constant 0 : i32
        %dma_start3A_107 = tpu.memref_slice %arg6[%arg0, %dma_start3A_105, %dma_start3A_106] : memref<2x256x128xf32, #tpu.memory_space<hbm>> -> memref<1x256x128xf32, #tpu.memory_space<hbm>>
        %dma_start3A_108 = tpu.memref_squeeze %dma_start3A_107 : memref<1x256x128xf32, #tpu.memory_space<hbm>> -> memref<256x128xf32, #tpu.memory_space<hbm>>
        tpu.enqueue_dma source(%arg12 : memref<256x128xf32, #tpu.memory_space<vmem_shared>>) target(%dma_start3A_108 : memref<256x128xf32, #tpu.memory_space<hbm>>) target_semaphore(%run_scoped3A : memref<!tpu.dma_semaphore, #tpu.memory_space<semaphore_mem>>)
        %dma_wait3A_109 = arith.constant 0 : i32
        %dma_wait3A_110 = arith.constant 0 : i32
        %dma_wait3A_111 = tpu.memref_slice %arg6[%arg0, %dma_wait3A_109, %dma_wait3A_110] : memref<2x256x128xf32, #tpu.memory_space<hbm>> -> memref<1x256x128xf32, #tpu.memory_space<hbm>>
        %dma_wait3A_112 = tpu.memref_squeeze %dma_wait3A_111 : memref<1x256x128xf32, #tpu.memory_space<hbm>> -> memref<256x128xf32, #tpu.memory_space<hbm>>
        tpu.wait_dma2 semaphore(%run_scoped3A : memref<!tpu.dma_semaphore, #tpu.memory_space<semaphore_mem>>) src(%arg12 : memref<256x128xf32, #tpu.memory_space<vmem_shared>>) dst(%dma_wait3A_112 : memref<256x128xf32, #tpu.memory_space<hbm>>)
        tpu.yield
      }) : () -> ()
    } else {
    }
    "tpu.region"() ({
      %run_scoped3A = tpu.sem_alloc : memref<!tpu.dma_semaphore, #tpu.memory_space<semaphore_mem>>
      %dma_start3A_105 = arith.constant 0 : i32
      %dma_start3A_106 = tpu.memref_slice %arg7[%add3A, %dma_start3A_105] : memref<32x4096xf32, #tpu.memory_space<hbm>> -> memref<1x4096xf32, #tpu.memory_space<hbm>>
      %dma_start3A_107 = tpu.memref_squeeze %dma_start3A_106 : memref<1x4096xf32, #tpu.memory_space<hbm>> -> memref<4096xf32, #tpu.memory_space<hbm>>
      %dma_start3A_108 = arith.constant 0 : i32
      %dma_start3A_109 = tpu.memref_slice %arg7[%add3A, %dma_start3A_108] : memref<32x4096xf32, #tpu.memory_space<hbm>> -> memref<1x4096xf32, #tpu.memory_space<hbm>>
      %dma_start3A_110 = tpu.memref_squeeze %dma_start3A_109 : memref<1x4096xf32, #tpu.memory_space<hbm>> -> memref<4096xf32, #tpu.memory_space<hbm>>
      tpu.enqueue_dma source(%arg13 : memref<4096xf32, #tpu.memory_space<vmem>>) target(%dma_start3A_110 : memref<4096xf32, #tpu.memory_space<hbm>>) target_semaphore(%run_scoped3A : memref<!tpu.dma_semaphore, #tpu.memory_space<semaphore_mem>>)
      %dma_wait3A_111 = arith.constant 0 : i32
      %dma_wait3A_112 = tpu.memref_slice %arg7[%add3A, %dma_wait3A_111] : memref<32x4096xf32, #tpu.memory_space<hbm>> -> memref<1x4096xf32, #tpu.memory_space<hbm>>
      %dma_wait3A_113 = tpu.memref_squeeze %dma_wait3A_112 : memref<1x4096xf32, #tpu.memory_space<hbm>> -> memref<4096xf32, #tpu.memory_space<hbm>>
      %dma_wait3A_114 = arith.constant 0 : i32
      %dma_wait3A_115 = tpu.memref_slice %arg7[%add3A, %dma_wait3A_114] : memref<32x4096xf32, #tpu.memory_space<hbm>> -> memref<1x4096xf32, #tpu.memory_space<hbm>>
      %dma_wait3A_116 = tpu.memref_squeeze %dma_wait3A_115 : memref<1x4096xf32, #tpu.memory_space<hbm>> -> memref<4096xf32, #tpu.memory_space<hbm>>
      tpu.wait_dma2 semaphore(%run_scoped3A : memref<!tpu.dma_semaphore, #tpu.memory_space<semaphore_mem>>) src(%arg13 : memref<4096xf32, #tpu.memory_space<vmem>>) dst(%dma_wait3A_116 : memref<4096xf32, #tpu.memory_space<hbm>>)
      tpu.yield
    }) : () -> ()
    return
  }
}

module attributes {stable_mosaic.version = 14 : i64} {
  func.func @_tc_x_body(%arg0: i32, %arg1: memref<10000x128xf32, #tpu.memory_space<vmem>>, %arg2: memref<1x10000xi32, #tpu.memory_space<vmem>>, %arg3: memref<1x1x2560xi32, #tpu.memory_space<vmem>>, %arg4: memref<2560x128xf32, #tpu.memory_space<vmem>>, %arg5: memref<256x128xf32, #tpu.memory_space<vmem>>, %arg6: memref<256x128xf32, #tpu.memory_space<vmem>>, %arg7: memref<256x128xf32, #tpu.memory_space<vmem>>, %arg8: memref<256x128xi32, #tpu.memory_space<vmem>>, %arg9: memref<256x128xi32, #tpu.memory_space<vmem>>, %arg10: memref<256x128xf32, #tpu.memory_space<vmem>>, %arg11: memref<256x128xf32, #tpu.memory_space<vmem>>) attributes {dimension_semantics = [#tpu.dimension_semantics<arbitrary>], iteration_bounds = array<i64: 50>, scalar_prefetch = 0 : i64, scratch_operands = 4 : i64, tpu.core_type = #tpu.core_type<tc>, window_params = [{pipeline_mode = #tpu.pipeline_mode<synchronous>, transform_indices = @transform_0, window_bounds = array<i64: 10000, 128>}, {pipeline_mode = #tpu.pipeline_mode<synchronous>, transform_indices = @transform_1, window_bounds = array<i64: 1, 10000>}, {transform_indices = @transform_2, window_bounds = array<i64: 1, 1, 2560>}, {transform_indices = @transform_3, window_bounds = array<i64: 2560, 128>}, {pipeline_mode = #tpu.pipeline_mode<synchronous>, transform_indices = @transform_4, window_bounds = array<i64: 256, 128>}, {pipeline_mode = #tpu.pipeline_mode<synchronous>, transform_indices = @transform_5, window_bounds = array<i64: 256, 128>}, {pipeline_mode = #tpu.pipeline_mode<synchronous>, transform_indices = @transform_6, window_bounds = array<i64: 256, 128>}]} {
    %eq3A = arith.constant 0 : i32
    %eq3A_0 = arith.cmpi eq, %arg0, %eq3A : i32
    %convert_element_type3A = arith.extui %eq3A_0 : i1 to i32
    %cond3A = arith.constant 0 : i32
    %cond3A_1 = arith.cmpi ne, %convert_element_type3A, %cond3A : i32
    scf.if %cond3A_1 {
      %iota3A = tpu.iota {dimensions = array<i32: 0>} : vector<256x10000xi32>
      %get3A_46 = arith.constant 0 : index
      %get3A_47 = arith.constant 0 : index
      %get3A_48 = vector.load %arg2[%get3A_46, %get3A_47] : memref<1x10000xi32, #tpu.memory_space<vmem>>, vector<1x10000xi32>
      %eq3A_49 = vector.broadcast %get3A_48 : vector<1x10000xi32> to vector<256x10000xi32>
      %eq3A_50 = arith.cmpi eq, %eq3A_49, %iota3A : vector<256x10000xi32>
      %convert_element_type3A_51 = arith.extui %eq3A_50 : vector<256x10000xi1> to vector<256x10000xi32>
      %convert_element_type3A_52 = arith.sitofp %convert_element_type3A_51 : vector<256x10000xi32> to vector<256x10000xf32>
      %reduce_sum3A_53 = arith.constant dense<0.000000e+00> : vector<256xf32>
      %reduce_sum3A_54 = vector.multi_reduction <add>, %convert_element_type3A_52, %reduce_sum3A_53 [1] : vector<256x10000xf32> to vector<256xf32>
      %broadcast_in_dim3A_55 = vector.shape_cast %reduce_sum3A_54 : vector<256xf32> to vector<256x1xf32>
      %iota3A_56 = tpu.iota {dimensions = array<i32: 0>} : vector<256x256xi32>
      %iota3A_57 = tpu.iota {dimensions = array<i32: 1>} : vector<256x256xi32>
      %gt3A = arith.cmpi sgt, %iota3A_56, %iota3A_57 : vector<256x256xi32>
      %convert_element_type3A_58 = arith.extui %gt3A : vector<256x256xi1> to vector<256x256xi32>
      %convert_element_type3A_59 = arith.sitofp %convert_element_type3A_58 : vector<256x256xi32> to vector<256x256xf32>
      %dot_general3A_60 = arith.constant dense<0.000000e+00> : vector<256x1xf32>
      %dot_general3A_61 = tpu.matmul %convert_element_type3A_59, %broadcast_in_dim3A_55, %dot_general3A_60 {dimension_numbers = #tpu.dot_dimension_numbers<[1], [0], [0], [1], [0, 0, 1, 1], [], []>, transpose_lhs_hint = false} : vector<256x256xf32>, vector<256x1xf32>, vector<256x1xf32> -> vector<256x1xf32>
      %convert_element_type3A_62 = arith.fptosi %dot_general3A_61 : vector<256x1xf32> to vector<256x1xi32>
      %broadcast_in_dim3A_63 = vector.shape_cast %convert_element_type3A_62 : vector<256x1xi32> to vector<256x1xi32>
      %broadcast_in_dim3A_64 = vector.broadcast %broadcast_in_dim3A_63 : vector<256x1xi32> to vector<256x128xi32>
      %swap3A_65 = arith.constant 0 : index
      %swap3A_66 = arith.constant 0 : index
      %swap3A_67 = vector.load %arg8[%swap3A_65, %swap3A_66] : memref<256x128xi32, #tpu.memory_space<vmem>>, vector<256x128xi32>
      tpu.vector_store %arg8[%swap3A_65, %swap3A_66], %broadcast_in_dim3A_64 {strides = array<i32>} : memref<256x128xi32, #tpu.memory_space<vmem>>, vector<256x128xi32>,
      %convert_element_type3A_68 = arith.fptosi %broadcast_in_dim3A_55 : vector<256x1xf32> to vector<256x1xi32>
      %broadcast_in_dim3A_69 = vector.shape_cast %convert_element_type3A_68 : vector<256x1xi32> to vector<256x1xi32>
      %broadcast_in_dim3A_70 = vector.broadcast %broadcast_in_dim3A_69 : vector<256x1xi32> to vector<256x128xi32>
      %swap3A_71 = arith.constant 0 : index
      %swap3A_72 = arith.constant 0 : index
      %swap3A_73 = vector.load %arg9[%swap3A_71, %swap3A_72] : memref<256x128xi32, #tpu.memory_space<vmem>>, vector<256x128xi32>
      tpu.vector_store %arg9[%swap3A_71, %swap3A_72], %broadcast_in_dim3A_70 {strides = array<i32>} : memref<256x128xi32, #tpu.memory_space<vmem>>, vector<256x128xi32>,
      %broadcast_in_dim3A_74 = arith.constant 0.000000e+00 : f32
      %broadcast_in_dim3A_75 = vector.broadcast %broadcast_in_dim3A_74 : f32 to vector<256x128xf32>
      %swap3A_76 = arith.constant 0 : index
      %swap3A_77 = arith.constant 0 : index
      %swap3A_78 = vector.load %arg10[%swap3A_76, %swap3A_77] : memref<256x128xf32, #tpu.memory_space<vmem>>, vector<256x128xf32>
      tpu.vector_store %arg10[%swap3A_76, %swap3A_77], %broadcast_in_dim3A_75 {strides = array<i32>} : memref<256x128xf32, #tpu.memory_space<vmem>>, vector<256x128xf32>,
      %broadcast_in_dim3A_79 = arith.constant 0.000000e+00 : f32
      %broadcast_in_dim3A_80 = vector.broadcast %broadcast_in_dim3A_79 : f32 to vector<256x128xf32>
      %swap3A_81 = arith.constant 0 : index
      %swap3A_82 = arith.constant 0 : index
      %swap3A_83 = vector.load %arg11[%swap3A_81, %swap3A_82] : memref<256x128xf32, #tpu.memory_space<vmem>>, vector<256x128xf32>
      tpu.vector_store %arg11[%swap3A_81, %swap3A_82], %broadcast_in_dim3A_80 {strides = array<i32>} : memref<256x128xf32, #tpu.memory_space<vmem>>, vector<256x128xf32>,
    } else {
    }
    %get3A = arith.constant 0 : index
    %get3A_2 = arith.constant 0 : index
    %get3A_3 = vector.load %arg8[%get3A, %get3A_2] : memref<256x128xi32, #tpu.memory_space<vmem>>, vector<256x1xi32>
    %get3A_4 = arith.constant 0 : index
    %get3A_5 = arith.constant 0 : index
    %get3A_6 = vector.load %arg9[%get3A_4, %get3A_5] : memref<256x128xi32, #tpu.memory_space<vmem>>, vector<256x1xi32>
    %add3A = arith.addi %get3A_3, %get3A_6 : vector<256x1xi32>
    %get3A_7 = arith.constant 0 : index
    %get3A_8 = arith.constant 0 : index
    %get3A_9 = arith.constant 0 : index
    %get3A_10 = vector.load %arg3[%get3A_7, %get3A_8, %get3A_9] : memref<1x1x2560xi32, #tpu.memory_space<vmem>>, vector<1x1x2560xi32>
    %reshape3A = vector.shape_cast %get3A_10 : vector<1x1x2560xi32> to vector<1x2560xi32>
    %ge3A = vector.broadcast %reshape3A : vector<1x2560xi32> to vector<256x2560xi32>
    %ge3A_11 = vector.broadcast %get3A_3 : vector<256x1xi32> to vector<256x2560xi32>
    %ge3A_12 = arith.cmpi sge, %ge3A, %ge3A_11 : vector<256x2560xi32>
    %lt3A = vector.broadcast %reshape3A : vector<1x2560xi32> to vector<256x2560xi32>
    %lt3A_13 = vector.broadcast %add3A : vector<256x1xi32> to vector<256x2560xi32>
    %lt3A_14 = arith.cmpi slt, %lt3A, %lt3A_13 : vector<256x2560xi32>
    %and3A = arith.andi %ge3A_12, %lt3A_14 : vector<256x2560xi1>
    %convert_element_type3A_15 = arith.extui %and3A : vector<256x2560xi1> to vector<256x2560xi32>
    %convert_element_type3A_16 = arith.sitofp %convert_element_type3A_15 : vector<256x2560xi32> to vector<256x2560xf32>
    %convert_element_type3A_17 = arith.truncf %convert_element_type3A_16 : vector<256x2560xf32> to vector<256x2560xbf16>
    %get3A_18 = arith.constant 0 : index
    %get3A_19 = arith.constant 0 : index
    %get3A_20 = vector.load %arg4[%get3A_18, %get3A_19] : memref<2560x128xf32, #tpu.memory_space<vmem>>, vector<2560x128xf32>
    %convert_element_type3A_21 = arith.truncf %get3A_20 : vector<2560x128xf32> to vector<2560x128xbf16>
    %get3A_22 = arith.constant 0 : index
    %get3A_23 = arith.constant 0 : index
    %get3A_24 = vector.load %arg10[%get3A_22, %get3A_23] : memref<256x128xf32, #tpu.memory_space<vmem>>, vector<256x128xf32>
    %dot_general3A = arith.constant dense<0.000000e+00> : vector<256x128xf32>
    %dot_general3A_25 = tpu.matmul %convert_element_type3A_17, %convert_element_type3A_21, %dot_general3A {dimension_numbers = #tpu.dot_dimension_numbers<[1], [0], [0], [1], [0, 0, 1, 1], [], []>, transpose_lhs_hint = false} : vector<256x2560xbf16>, vector<2560x128xbf16>, vector<256x128xf32> -> vector<256x128xf32>
    %add3A_26 = arith.addf %get3A_24, %dot_general3A_25 : vector<256x128xf32>
    %swap3A = arith.constant 0 : index
    %swap3A_27 = arith.constant 0 : index
    %swap3A_28 = vector.load %arg10[%swap3A, %swap3A_27] : memref<256x128xf32, #tpu.memory_space<vmem>>, vector<256x128xf32>
    tpu.vector_store %arg10[%swap3A, %swap3A_27], %add3A_26 {strides = array<i32>} : memref<256x128xf32, #tpu.memory_space<vmem>>, vector<256x128xf32>,
    %convert_element_type3A_29 = arith.extui %and3A : vector<256x2560xi1> to vector<256x2560xi32>
    %convert_element_type3A_30 = arith.sitofp %convert_element_type3A_29 : vector<256x2560xi32> to vector<256x2560xf32>
    %reduce_sum3A = arith.constant dense<0.000000e+00> : vector<256xf32>
    %reduce_sum3A_31 = vector.multi_reduction <add>, %convert_element_type3A_30, %reduce_sum3A [1] : vector<256x2560xf32> to vector<256xf32>
    %broadcast_in_dim3A = vector.shape_cast %reduce_sum3A_31 : vector<256xf32> to vector<256x1xf32>
    %get3A_32 = arith.constant 0 : index
    %get3A_33 = arith.constant 0 : index
    %get3A_34 = vector.load %arg11[%get3A_32, %get3A_33] : memref<256x128xf32, #tpu.memory_space<vmem>>, vector<256x128xf32>
    %broadcast_in_dim3A_35 = vector.shape_cast %broadcast_in_dim3A : vector<256x1xf32> to vector<256x1xf32>
    %broadcast_in_dim3A_36 = vector.broadcast %broadcast_in_dim3A_35 : vector<256x1xf32> to vector<256x128xf32>
    %add3A_37 = arith.addf %get3A_34, %broadcast_in_dim3A_36 : vector<256x128xf32>
    %swap3A_38 = arith.constant 0 : index
    %swap3A_39 = arith.constant 0 : index
    %swap3A_40 = vector.load %arg11[%swap3A_38, %swap3A_39] : memref<256x128xf32, #tpu.memory_space<vmem>>, vector<256x128xf32>
    tpu.vector_store %arg11[%swap3A_38, %swap3A_39], %add3A_37 {strides = array<i32>} : memref<256x128xf32, #tpu.memory_space<vmem>>, vector<256x128xf32>,
    %eq3A_41 = arith.constant 49 : i32
    %eq3A_42 = arith.cmpi eq, %arg0, %eq3A_41 : i32
    %convert_element_type3A_43 = arith.extui %eq3A_42 : i1 to i32
    %cond3A_44 = arith.constant 0 : i32
    %cond3A_45 = arith.cmpi ne, %convert_element_type3A_43, %cond3A_44 : i32
    scf.if %cond3A_45 {
      %iota3A = tpu.iota {dimensions = array<i32: 1>} : vector<256x10000xi32>
      %ge3A_46 = vector.broadcast %get3A_3 : vector<256x1xi32> to vector<256x10000xi32>
      %ge3A_47 = arith.cmpi sge, %iota3A, %ge3A_46 : vector<256x10000xi32>
      %lt3A_48 = vector.broadcast %add3A : vector<256x1xi32> to vector<256x10000xi32>
      %lt3A_49 = arith.cmpi slt, %iota3A, %lt3A_48 : vector<256x10000xi32>
      %and3A_50 = arith.andi %ge3A_47, %lt3A_49 : vector<256x10000xi1>
      %convert_element_type3A_51 = arith.extui %and3A_50 : vector<256x10000xi1> to vector<256x10000xi32>
      %convert_element_type3A_52 = arith.sitofp %convert_element_type3A_51 : vector<256x10000xi32> to vector<256x10000xf32>
      %get3A_53 = arith.constant 0 : index
      %get3A_54 = arith.constant 0 : index
      %get3A_55 = vector.load %arg1[%get3A_53, %get3A_54] : memref<10000x128xf32, #tpu.memory_space<vmem>>, vector<10000x128xf32>
      %dot_general3A_56 = arith.constant dense<0.000000e+00> : vector<256x128xf32>
      %dot_general3A_57 = tpu.matmul %convert_element_type3A_52, %get3A_55, %dot_general3A_56 {dimension_numbers = #tpu.dot_dimension_numbers<[1], [0], [0], [1], [0, 0, 1, 1], [], []>, transpose_lhs_hint = false} : vector<256x10000xf32>, vector<10000x128xf32>, vector<256x128xf32> -> vector<256x128xf32>
      %convert_element_type3A_58 = arith.sitofp %get3A_6 : vector<256x1xi32> to vector<256x1xf32>
      %max3A = arith.constant 1.000000e+00 : f32
      %max3A_59 = vector.broadcast %max3A : f32 to vector<256x1xf32>
      %max3A_60 = arith.maximumf %convert_element_type3A_58, %max3A_59 : vector<256x1xf32>
      %div3A = vector.broadcast %max3A_60 : vector<256x1xf32> to vector<256x128xf32>
      %div3A_61 = arith.divf %dot_general3A_57, %div3A : vector<256x128xf32>
      %swap3A_62 = arith.constant 0 : index
      %swap3A_63 = arith.constant 0 : index
      %swap3A_64 = vector.load %arg5[%swap3A_62, %swap3A_63] : memref<256x128xf32, #tpu.memory_space<vmem>>, vector<256x128xf32>
      tpu.vector_store %arg5[%swap3A_62, %swap3A_63], %div3A_61 {strides = array<i32>} : memref<256x128xf32, #tpu.memory_space<vmem>>, vector<256x128xf32>,
      %get3A_65 = arith.constant 0 : index
      %get3A_66 = arith.constant 0 : index
      %get3A_67 = vector.load %arg10[%get3A_65, %get3A_66] : memref<256x128xf32, #tpu.memory_space<vmem>>, vector<256x128xf32>
      %swap3A_68 = arith.constant 0 : index
      %swap3A_69 = arith.constant 0 : index
      %swap3A_70 = vector.load %arg6[%swap3A_68, %swap3A_69] : memref<256x128xf32, #tpu.memory_space<vmem>>, vector<256x128xf32>
      tpu.vector_store %arg6[%swap3A_68, %swap3A_69], %get3A_67 {strides = array<i32>} : memref<256x128xf32, #tpu.memory_space<vmem>>, vector<256x128xf32>,
      %get3A_71 = arith.constant 0 : index
      %get3A_72 = arith.constant 0 : index
      %get3A_73 = vector.load %arg11[%get3A_71, %get3A_72] : memref<256x128xf32, #tpu.memory_space<vmem>>, vector<256x128xf32>
      %swap3A_74 = arith.constant 0 : index
      %swap3A_75 = arith.constant 0 : index
      %swap3A_76 = vector.load %arg7[%swap3A_74, %swap3A_75] : memref<256x128xf32, #tpu.memory_space<vmem>>, vector<256x128xf32>
      tpu.vector_store %arg7[%swap3A_74, %swap3A_75], %get3A_73 {strides = array<i32>} : memref<256x128xf32, #tpu.memory_space<vmem>>, vector<256x128xf32>,
    } else {
    }
    return
  }
  func.func @transform_0(%arg0: i32) -> (i32, i32) {
    %c0_i32 = arith.constant 0 : i32
    %c0_i32_0 = arith.constant 0 : i32
    %c0_i32_1 = arith.constant 0 : i32
    return %c0_i32, %c0_i32_0 : i32, i32
  }
  func.func @transform_1(%arg0: i32) -> (i32, i32) {
    %c0_i32 = arith.constant 0 : i32
    %c0_i32_0 = arith.constant 0 : i32
    %c0_i32_1 = arith.constant 0 : i32
    return %c0_i32, %c0_i32_0 : i32, i32
  }
  func.func @transform_2(%arg0: i32) -> (i32, i32, i32) {
    %add3A = arith.constant 75 : i32
    %add3A_0 = arith.addi %arg0, %add3A : i32
    %c0_i32 = arith.constant 0 : i32
    %c0_i32_1 = arith.constant 0 : i32
    %c0_i32_2 = arith.constant 0 : i32
    return %add3A_0, %c0_i32, %c0_i32_1 : i32, i32, i32
  }
  func.func @transform_3(%arg0: i32) -> (i32, i32) {
    %add3A = arith.constant 75 : i32
    %add3A_0 = arith.addi %arg0, %add3A : i32
    %c0_i32 = arith.constant 0 : i32
    %c0_i32_1 = arith.constant 0 : i32
    return %add3A_0, %c0_i32 : i32, i32
  }
  func.func @transform_4(%arg0: i32) -> (i32, i32) {
    %c0_i32 = arith.constant 0 : i32
    %c0_i32_0 = arith.constant 0 : i32
    %c0_i32_1 = arith.constant 0 : i32
    return %c0_i32, %c0_i32_0 : i32, i32
  }
  func.func @transform_5(%arg0: i32) -> (i32, i32) {
    %c0_i32 = arith.constant 0 : i32
    %c0_i32_0 = arith.constant 0 : i32
    %c0_i32_1 = arith.constant 0 : i32
    return %c0_i32, %c0_i32_0 : i32, i32
  }
  func.func @transform_6(%arg0: i32) -> (i32, i32) {
    %c0_i32 = arith.constant 0 : i32
    %c0_i32_0 = arith.constant 0 : i32
    %c0_i32_1 = arith.constant 0 : i32
    return %c0_i32, %c0_i32_0 : i32, i32
  }
}

module attributes {stable_mosaic.version = 14 : i64} {
  func.func @_tc_combine_body(%arg0: i32, %arg1: memref<2x256x128xf32, #tpu.memory_space<vmem>>, %arg2: memref<32x256x16xf32, #tpu.memory_space<vmem>>, %arg3: memref<256x128xf32, #tpu.memory_space<vmem>>, %arg4: memref<256x128xf32, #tpu.memory_space<vmem>>, %arg5: memref<256x128xf32, #tpu.memory_space<vmem>>, %arg6: memref<256x128xf32, #tpu.memory_space<vmem>>, %arg7: memref<128x384xf32, #tpu.memory_space<vmem>>, %arg8: memref<1x128xf32, #tpu.memory_space<vmem>>, %arg9: memref<128x128xf32, #tpu.memory_space<vmem>>, %arg10: memref<1x128xf32, #tpu.memory_space<vmem>>, %arg11: memref<256x128xf32, #tpu.memory_space<vmem>>) attributes {dimension_semantics = [#tpu.dimension_semantics<arbitrary>], iteration_bounds = array<i64: 1>, scalar_prefetch = 0 : i64, scratch_operands = 0 : i64, tpu.core_type = #tpu.core_type<tc>, window_params = [{pipeline_mode = #tpu.pipeline_mode<synchronous>, transform_indices = @transform_0, window_bounds = array<i64: 2, 256, 128>}, {pipeline_mode = #tpu.pipeline_mode<synchronous>, transform_indices = @transform_1, window_bounds = array<i64: 32, 256, 16>}, {pipeline_mode = #tpu.pipeline_mode<synchronous>, transform_indices = @transform_2, window_bounds = array<i64: 256, 128>}, {pipeline_mode = #tpu.pipeline_mode<synchronous>, transform_indices = @transform_3, window_bounds = array<i64: 256, 128>}, {pipeline_mode = #tpu.pipeline_mode<synchronous>, transform_indices = @transform_4, window_bounds = array<i64: 256, 128>}, {pipeline_mode = #tpu.pipeline_mode<synchronous>, transform_indices = @transform_5, window_bounds = array<i64: 256, 128>}, {pipeline_mode = #tpu.pipeline_mode<synchronous>, transform_indices = @transform_6, window_bounds = array<i64: 128, 384>}, {pipeline_mode = #tpu.pipeline_mode<synchronous>, transform_indices = @transform_7, window_bounds = array<i64: 1, 128>}, {pipeline_mode = #tpu.pipeline_mode<synchronous>, transform_indices = @transform_8, window_bounds = array<i64: 128, 128>}, {pipeline_mode = #tpu.pipeline_mode<synchronous>, transform_indices = @transform_9, window_bounds = array<i64: 1, 128>}, {pipeline_mode = #tpu.pipeline_mode<synchronous>, transform_indices = @transform_10, window_bounds = array<i64: 256, 128>}]} {
    %get3A = arith.constant 0 : index
    %get3A_0 = arith.constant 0 : index
    %get3A_1 = arith.constant 0 : index
    %get3A_2 = vector.load %arg1[%get3A, %get3A_0, %get3A_1] : memref<2x256x128xf32, #tpu.memory_space<vmem>>, vector<2x256x128xf32>
    %reduce_sum3A = arith.constant dense<0.000000e+00> : vector<256x128xf32>
    %reduce_sum3A_3 = vector.multi_reduction <add>, %get3A_2, %reduce_sum3A [0] : vector<2x256x128xf32> to vector<256x128xf32>
    %get3A_4 = arith.constant 0 : index
    %get3A_5 = arith.constant 0 : index
    %get3A_6 = vector.load %arg3[%get3A_4, %get3A_5] : memref<256x128xf32, #tpu.memory_space<vmem>>, vector<256x128xf32>
    %add3A = arith.addf %reduce_sum3A_3, %get3A_6 : vector<256x128xf32>
    %get3A_7 = arith.constant 0 : index
    %get3A_8 = arith.constant 0 : index
    %get3A_9 = arith.constant 0 : index
    %get3A_10 = vector.load %arg2[%get3A_7, %get3A_8, %get3A_9] : memref<32x256x16xf32, #tpu.memory_space<vmem>>, vector<32x256x16xf32>
    %reduce_sum3A_11 = arith.constant dense<0.000000e+00> : vector<256x16xf32>
    %reduce_sum3A_12 = vector.multi_reduction <add>, %get3A_10, %reduce_sum3A_11 [0] : vector<32x256x16xf32> to vector<256x16xf32>
    %reduce_sum3A_13 = arith.constant dense<0.000000e+00> : vector<256xf32>
    %reduce_sum3A_14 = vector.multi_reduction <add>, %reduce_sum3A_12, %reduce_sum3A_13 [1] : vector<256x16xf32> to vector<256xf32>
    %broadcast_in_dim3A = vector.shape_cast %reduce_sum3A_14 : vector<256xf32> to vector<256x1xf32>
    %get3A_15 = arith.constant 0 : index
    %get3A_16 = arith.constant 0 : index
    %get3A_17 = vector.load %arg4[%get3A_15, %get3A_16] : memref<256x128xf32, #tpu.memory_space<vmem>>, vector<256x1xf32>
    %add3A_18 = arith.addf %broadcast_in_dim3A, %get3A_17 : vector<256x1xf32>
    %max3A = arith.constant 1.000000e+00 : f32
    %max3A_19 = vector.broadcast %max3A : f32 to vector<256x1xf32>
    %max3A_20 = arith.maximumf %add3A_18, %max3A_19 : vector<256x1xf32>
    %div3A = vector.broadcast %max3A_20 : vector<256x1xf32> to vector<256x128xf32>
    %div3A_21 = arith.divf %add3A, %div3A : vector<256x128xf32>
    %get3A_22 = arith.constant 0 : index
    %get3A_23 = arith.constant 0 : index
    %get3A_24 = vector.load %arg6[%get3A_22, %get3A_23] : memref<256x128xf32, #tpu.memory_space<vmem>>, vector<256x128xf32>
    %get3A_25 = arith.constant 0 : index
    %get3A_26 = arith.constant 0 : index
    %get3A_27 = vector.load %arg5[%get3A_25, %get3A_26] : memref<256x128xf32, #tpu.memory_space<vmem>>, vector<256x128xf32>
    %concatenate3A = tpu.concatenate %get3A_24, %get3A_27, %div3A_21 in 1 : vector<256x128xf32>, vector<256x128xf32>, vector<256x128xf32> -> vector<256x384xf32>
    %get3A_28 = arith.constant 0 : index
    %get3A_29 = arith.constant 0 : index
    %get3A_30 = vector.load %arg7[%get3A_28, %get3A_29] : memref<128x384xf32, #tpu.memory_space<vmem>>, vector<128x384xf32>
    %dot_general3A = arith.constant dense<0.000000e+00> : vector<256x128xf32>
    %dot_general3A_31 = tpu.matmul %concatenate3A, %get3A_30, %dot_general3A {dimension_numbers = #tpu.dot_dimension_numbers<[1], [1], [0], [0], [0, 0, 1, 0], [], []>, transpose_lhs_hint = false} : vector<256x384xf32>, vector<128x384xf32>, vector<256x128xf32> -> vector<256x128xf32>
    %get3A_32 = arith.constant 0 : index
    %get3A_33 = arith.constant 0 : index
    %get3A_34 = vector.load %arg8[%get3A_32, %get3A_33] : memref<1x128xf32, #tpu.memory_space<vmem>>, vector<1x128xf32>
    %add3A_35 = vector.broadcast %get3A_34 : vector<1x128xf32> to vector<256x128xf32>
    %add3A_36 = arith.addf %dot_general3A_31, %add3A_35 : vector<256x128xf32>
    %max3A_37 = arith.constant 0.000000e+00 : f32
    %max3A_38 = vector.broadcast %max3A_37 : f32 to vector<256x128xf32>
    %max3A_39 = arith.maximumf %add3A_36, %max3A_38 : vector<256x128xf32>
    %get3A_40 = arith.constant 0 : index
    %get3A_41 = arith.constant 0 : index
    %get3A_42 = vector.load %arg9[%get3A_40, %get3A_41] : memref<128x128xf32, #tpu.memory_space<vmem>>, vector<128x128xf32>
    %dot_general3A_43 = arith.constant dense<0.000000e+00> : vector<256x128xf32>
    %dot_general3A_44 = tpu.matmul %max3A_39, %get3A_42, %dot_general3A_43 {dimension_numbers = #tpu.dot_dimension_numbers<[1], [1], [0], [0], [0, 0, 1, 0], [], []>, transpose_lhs_hint = false} : vector<256x128xf32>, vector<128x128xf32>, vector<256x128xf32> -> vector<256x128xf32>
    %get3A_45 = arith.constant 0 : index
    %get3A_46 = arith.constant 0 : index
    %get3A_47 = vector.load %arg10[%get3A_45, %get3A_46] : memref<1x128xf32, #tpu.memory_space<vmem>>, vector<1x128xf32>
    %add3A_48 = vector.broadcast %get3A_47 : vector<1x128xf32> to vector<256x128xf32>
    %add3A_49 = arith.addf %dot_general3A_44, %add3A_48 : vector<256x128xf32>
    %swap3A = arith.constant 0 : index
    %swap3A_50 = arith.constant 0 : index
    %swap3A_51 = vector.load %arg11[%swap3A, %swap3A_50] : memref<256x128xf32, #tpu.memory_space<vmem>>, vector<256x128xf32>
    tpu.vector_store %arg11[%swap3A, %swap3A_50], %add3A_49 {strides = array<i32>} : memref<256x128xf32, #tpu.memory_space<vmem>>, vector<256x128xf32>,
    return
  }
  func.func @transform_0(%arg0: i32) -> (i32, i32, i32) {
    %c0_i32 = arith.constant 0 : i32
    %c0_i32_0 = arith.constant 0 : i32
    %c0_i32_1 = arith.constant 0 : i32
    %c0_i32_2 = arith.constant 0 : i32
    return %c0_i32, %c0_i32_0, %c0_i32_1 : i32, i32, i32
  }
  func.func @transform_1(%arg0: i32) -> (i32, i32, i32) {
    %c0_i32 = arith.constant 0 : i32
    %c0_i32_0 = arith.constant 0 : i32
    %c0_i32_1 = arith.constant 0 : i32
    %c0_i32_2 = arith.constant 0 : i32
    return %c0_i32, %c0_i32_0, %c0_i32_1 : i32, i32, i32
  }
  func.func @transform_2(%arg0: i32) -> (i32, i32) {
    %c0_i32 = arith.constant 0 : i32
    %c0_i32_0 = arith.constant 0 : i32
    %c0_i32_1 = arith.constant 0 : i32
    return %c0_i32, %c0_i32_0 : i32, i32
  }
  func.func @transform_3(%arg0: i32) -> (i32, i32) {
    %c0_i32 = arith.constant 0 : i32
    %c0_i32_0 = arith.constant 0 : i32
    %c0_i32_1 = arith.constant 0 : i32
    return %c0_i32, %c0_i32_0 : i32, i32
  }
  func.func @transform_4(%arg0: i32) -> (i32, i32) {
    %c0_i32 = arith.constant 0 : i32
    %c0_i32_0 = arith.constant 0 : i32
    %c0_i32_1 = arith.constant 0 : i32
    return %c0_i32, %c0_i32_0 : i32, i32
  }
  func.func @transform_5(%arg0: i32) -> (i32, i32) {
    %c0_i32 = arith.constant 0 : i32
    %c0_i32_0 = arith.constant 0 : i32
    %c0_i32_1 = arith.constant 0 : i32
    return %c0_i32, %c0_i32_0 : i32, i32
  }
  func.func @transform_6(%arg0: i32) -> (i32, i32) {
    %c0_i32 = arith.constant 0 : i32
    %c0_i32_0 = arith.constant 0 : i32
    %c0_i32_1 = arith.constant 0 : i32
    return %c0_i32, %c0_i32_0 : i32, i32
  }
  func.func @transform_7(%arg0: i32) -> (i32, i32) {
    %c0_i32 = arith.constant 0 : i32
    %c0_i32_0 = arith.constant 0 : i32
    %c0_i32_1 = arith.constant 0 : i32
    return %c0_i32, %c0_i32_0 : i32, i32
  }
  func.func @transform_8(%arg0: i32) -> (i32, i32) {
    %c0_i32 = arith.constant 0 : i32
    %c0_i32_0 = arith.constant 0 : i32
    %c0_i32_1 = arith.constant 0 : i32
    return %c0_i32, %c0_i32_0 : i32, i32
  }
  func.func @transform_9(%arg0: i32) -> (i32, i32) {
    %c0_i32 = arith.constant 0 : i32
    %c0_i32_0 = arith.constant 0 : i32
    %c0_i32_1 = arith.constant 0 : i32
    return %c0_i32, %c0_i32_0 : i32, i32
  }
  func.func @transform_10(%arg0: i32) -> (i32, i32) {
    %c0_i32 = arith.constant 0 : i32
    %c0_i32_0 = arith.constant 0 : i32
    %c0_i32_1 = arith.constant 0 : i32
    return %c0_i32, %c0_i32_0 : i32, i32
  }
}

</mosaic_0001>

<sc_bundles>
// kernel: kernel.5.cloned.1.call-start
scs
__scs_entry_jumppad:
0x0: {  	(pc) =	sbr.rel $0x88, $3  }
0x1: {  	(tag) =	ssettag $0x0;
	lr =	simm.s32 $0x1  }
0x2: {  	[smem:$0x3F98] =	sst lr;
	_ =	strace $0xD0000000  }
0x3: {  	_ = 	snop  }
0x4: {  	_ = 	snop  }
0x5: {  	_ = 	snop  }
0x6: {  	_ = 	snop  }
0x7: {  	_ = 	snop  }
__scs_overlays_trampoline_lowered:
0x8: {  	[smem:$0x3FA7] =	sst s0  }
0x9: {  	[smem:$0x3FA8] =	sst s1  }
0xa: {  	[smem:$0x3FA9] =	sst s2  }
0xb: {  	[smem:$0x3FAA] =	sst s3  }
0xc: {  	[smem:$0x3FAB] =	sst s4  }
0xd: {  	[smem:$0x3FAC] =	sst s5  }
0xe: {  	[smem:$0x3FAD] =	sst s6  }
0xf: {  	[smem:$0x3FAE] =	sst s7  }
0x10: {  	[smem:$0x3FAF] =	sst s8  }
0x11: {  	[smem:$0x3FB0] =	sst s9;
	s0 =	simm.s32 @!p0 $0x0  }
0x12: {  	s1 =	sld [smem:$0x3F96];
	s0 =	simm.s32 @p0 $0x1  }
0x13: {  	[smem:$0x3FB1] =	sst s0;
	s0 =	simm.s32 @!p1 $0x0  }
0x14: {  	s2 =	sld [smem:$0x3F95];
	s0 =	simm.s32 @p1 $0x1  }
0x15: {  	[smem:$0x3FB2] =	sst s0;
	s0 =	simm.s32 @!p2 $0x0  }
0x16: {  	s3 =	sld [smem:$0x3FDB];
	s0 =	simm.s32 @p2 $0x1  }
0x17: {  	s4 =	simm.s32 $0x1BF5;
	[smem:$0x3FB4] =	sst s0  }
0x18: {  	s0 =	sld [smem:$0x3F97];
	_ =	swait.ge [sflag:s4], $0x0  }
0x19: {  	s7 =	sld [smem:$0x3F98]  }
0x1a: {  	s8 =	sadd.s32 $0xFFFFE003, lr  }
0x1b: {  	s9 =	sadd.s32 $0xFFFFFEF7, lr;
	s5 =	simm.s32 $0xFFFFFFFF;
	p2 =	slt.u32 s8, $0xFFFFF086  }
0x1c: {  	p1 =	slt.u32 s9, $0xF7A;
	s5 =	simm.s32 @!p2 $0x0  }
0x1d: {  	s5 =	simm.s32 @p1 $0x1;
	p0 =	seq.s32 s7, s2  }
0x1e: {  	s7 =	smul.u32 @!p0 $0xF7A, s2;
	p2 =	seq.s32 @!p0 s5, $0x0  }
0x1f: {  	s9 =	smul.u32 $0xF7A, s1;
	s8 =	simm.s32 @!p0 $0x1BF5;
	p2 =	por !p2, p0  }
0x20: {  	[sflag:s8] =	ssyncset.s32 @!p0 $0xFFFFF086;
	s6 =	sadd.s32 @!p0 s3, s7;
	s7 =	simm.s32 @!p0 $0x108  }
0x21: {  	s3 =	sadd.s32 s3, s9;
	s6 =	sadd.s32 @!p0 $0x88, s6;
	s7 =	simm.s32 @p2 $0x1082  }
0x22: {  	[simem:s7], [sflag:s8] =	dma.local @!p0 [hbm:s6], $0xF7A  }
0x23: {  	s9 =	sor.u32 $0xD0000000, s2;
	s6 =	simm.s32 $0x108;
	_ =	swait.ge @!p0 [sflag:s8], $0x0  }
0x24: {  	s3 =	sadd.s32 $0x88, s3;
	s6 =	simm.s32 @!p1 $0x1082;
	[sflag:s4] =	ssyncset.s32 $0xFFFFF086  }
0x25: {  	[simem:s6], [sflag:s4] =	dma.local [hbm:s3], $0xF7A  }
0x26: {  	[smem:$0x3F98] =	sst s1;
	(tag) =	ssettag s2;
	_ =	strace s9  }
0x27: {  	s1 =	sld [smem:$0x3FA8]  }
0x28: {  	s2 =	sld [smem:$0x3FA9]  }
0x29: {  	s4 =	sld [smem:$0x3FAB]  }
0x2a: {  	p0 =	seq.s32 s5, $0x0;
	s5 =	sld [smem:$0x3FAC]  }
0x2b: {  	s6 =	sld [smem:$0x3FAD]  }
0x2c: {  	s7 =	sld [smem:$0x3FAE]  }
0x2d: {  	s3 =	simm.s32 $0x108;
	s8 =	sld [smem:$0x3FAF]  }
0x2e: {  	s3 =	simm.s32 @!p0 $0x1082;
	s9 =	sld [smem:$0x3FB0]  }
0x2f: {  	lr =	sadd.s32 s0, s3;
	s0 =	sld [smem:$0x3FA7]  }
0x30: {  	s3 =	sld [smem:$0x3FAA]  }
0x31: {  	[smem:$0x3FB3] =	sst s10  }
0x32: {  	s10 =	sld [smem:$0x3FB1];
	_ =	sdelay $0x3  }
0x33: {  	p0 =	seq.s32 s10, $0x1;
	s10 =	sld [smem:$0x3FB3];
	_ =	sdelay $0x3  }
0x34: {  	[smem:$0x3FB3] =	sst s10  }
0x35: {  	s10 =	sld [smem:$0x3FB2];
	_ =	sdelay $0x3  }
0x36: {  	p1 =	seq.s32 s10, $0x1;
	s10 =	sld [smem:$0x3FB3];
	_ =	sdelay $0x3  }
0x37: {  	[smem:$0x3FB3] =	sst s10  }
0x38: {  	s10 =	sld [smem:$0x3FB4]  }
0x39: {  	_ = 	snop;
	(pc) =	sbr.ind lr, $3  }
0x3a: {  	_ = 	snop  }
0x3b: {  	_ = 	snop  }
0x3c: {  	p2 =	seq.s32 s10, $0x1;
	s10 =	sld [smem:$0x3FB3]  }
0x3d: {  	_ =	shalt  }
0x3e: {  	_ =	shalt  }
0x3f: {  	_ =	shalt  }
0x40: {  	_ =	shalt  }
0x41: {  	_ =	shalt  }
0x42: {  	_ =	shalt  }
0x43: {  	_ =	shalt  }
0x44: {  	_ =	shalt  }
0x45: {  	_ =	shalt  }
0x46: {  	_ =	shalt  }
0x47: {  	_ =	shalt  }
0x48: {  	_ =	shalt  }
0x49: {  	_ =	shalt  }
0x4a: {  	_ =	shalt  }
0x4b: {  	_ =	shalt  }
0x4c: {  	_ =	shalt  }
0x4d: {  	_ =	shalt  }
0x4e: {  	_ =	shalt  }
0x4f: {  	_ =	shalt  }
0x50: {  	_ =	shalt  }
0x51: {  	_ =	shalt  }
0x52: {  	_ =	shalt  }
0x53: {  	_ =	shalt  }
0x54: {  	_ =	shalt  }
0x55: {  	_ =	shalt  }
0x56: {  	_ =	shalt  }
0x57: {  	_ =	shalt  }
0x58: {  	_ =	shalt  }
0x59: {  	_ =	shalt  }
0x5a: {  	_ =	shalt  }
0x5b: {  	_ =	shalt  }
0x5c: {  	_ =	shalt  }
0x5d: {  	_ =	shalt  }
0x5e: {  	_ =	shalt  }
0x5f: {  	_ =	shalt  }
0x60: {  	_ =	shalt  }
0x61: {  	_ =	shalt  }
0x62: {  	_ =	shalt  }
0x63: {  	_ =	shalt  }
0x64: {  	_ =	shalt  }
0x65: {  	_ =	shalt  }
0x66: {  	_ =	shalt  }
0x67: {  	_ =	shalt  }
0x68: {  	_ =	shalt  }
0x69: {  	_ =	shalt  }
0x6a: {  	_ =	shalt  }
0x6b: {  	_ =	shalt  }
0x6c: {  	_ =	shalt  }
0x6d: {  	_ =	shalt  }
0x6e: {  	_ =	shalt  }
0x6f: {  	_ =	shalt  }
0x70: {  	_ =	shalt  }
0x71: {  	_ =	shalt  }
0x72: {  	_ =	shalt  }
0x73: {  	_ =	shalt  }
0x74: {  	_ =	shalt  }
0x75: {  	_ =	shalt  }
0x76: {  	_ =	shalt  }
0x77: {  	_ =	shalt  }
0x78: {  	_ =	shalt  }
0x79: {  	_ =	shalt  }
0x7a: {  	_ =	shalt  }
0x7b: {  	_ =	shalt  }
0x7c: {  	_ =	shalt  }
0x7d: {  	_ =	shalt  }
0x7e: {  	_ =	shalt  }
0x7f: {  	_ =	shalt  }
0x80: {  	_ =	shalt  }
0x81: {  	_ =	shalt  }
0x82: {  	_ =	shalt  }
0x83: {  	_ =	shalt  }
0x84: {  	_ =	shalt  }
0x85: {  	_ =	shalt  }
0x86: {  	_ =	shalt  }
0x87: {  	_ =	shalt  }
.Lfunc_end0:
.L_simem_size_0:
called_computation_lowered:
.L_overlay_start_0:
0x88: {  	s2 =	sld [smem:$0x3FD9]  }
0x89: {  	s3 =	sld [smem:$0x3FFE];
	_ =	sdelay $0x1  }
0x8a: {  	s1 =	srdreg.scid  }
0x8b: {  	s0 =	sand.u32 $0x1, s1  }
0x8c: {  	s17 =	sshll.u32 s0, $0xA;
	s2 =	sadd.s32 s3, s2  }
0x8d: {  	s2 =	sadd.s32 s2, s17  }
0x8e: {  	[smem:$0x3FBF] =	sst s2  }
0x8f: {  	_ = 	snop  }
0x90: {  	s2 =	sld [smem:$0x3FC7]  }
0x91: {  	s18 =	sld [smem:$0x3FC5]  }
0x92: {  	s4 =	sld [smem:$0x3FD0];
	(tm) =	ssettm $0x1  }
0x93: {  	s5 =	sld [smem:$0x3FFB];
	_ =	sdelay $0x3  }
0x94: {  	_ =	strace s5  }
0x95: {  	s5 =	sld [smem:$0x3FFC];
	_ =	sdelay $0x3  }
0x96: {  	_ =	strace s5  }
0x97: {  	s5 =	sld [smem:$0x3FFD];
	_ =	sdelay $0x3  }
0x98: {  	_ =	strace s5  }
0x99: {  	_ =	strace $0x8FFFFFFF  }
0x9a: {  	s19 =	sld [smem:$0x3FDB];
	_ =	sdelay $0x1  }
0x9b: {  	s6 =	simm.s32 $_scs_section_size  }
0x9c: {  	s7 =	simm.s32 $_size__tile_overlayer_lowered;
	s8 =	simm.s32 $_tile_overlayer_lowered  }
0x9d: {  	s22 =	simm.s32 $0x1BFF;
	s21 =	sshll.u32 s8, $0x1;
	s5 =	sadd.s32 s6, s19  }
0x9e: {  	s9 =	simm.s32 $0x0;
	s20 =	sshll.u32 s7, $0x1;
	s7 =	sadd.s32 s21, s5  }
0x9f: {  	[timem:s9], [sflag:s22] =	dma.local [hbm:s7], s20  }
0xa0: {  	_ =	swait.ge [sflag:s22], s20  }
0xa1: {  	s6 =	ssub.s32 $0x0, s20;
	[sflag:s22] =	ssyncset.done $0x0  }
0xa2: {  	[sflag:s22] =	ssyncadd.s32 s6;
	_ =	sdelay $0x1  }
0xa3: {  	s23 =	simm.s32 $0x1B8B  }
0xa4: {  	_ =	swait.ge [sflag:s23], $0x1  }
0xa5: {  	[sflag:s23] =	ssyncset.done $0x0  }
0xa6: {  	s25 =	simm.s32 $0x1B8E;
	s24 =	sld [smem:$0x3FFE];
	[sflag:s23] =	ssyncadd.s32 $0xFFFFFFFF  }
0xa7: {  	s26 =	simm.s32 $execute0_lowered;
	[smem:$0x3FD2] =	sst s25  }
0xa8: {  	s7 =	sshll.u32 s26, $0x1;
	_ =	strace $0x80000046;
	[dreg:$0x1] =	wrdreg $0xFFFFFFFF  }
0xa9: {  	s28 =	simm.s32 $_size_execute0_lowered;
	s5 =	sadd.s32 s5, s7;
	[dreg:$0x0] =	wrdreg $0x0  }
0xaa: {  	s7 =	sshll.u32 s28, $0x1;
	[dreg:$0x2] =	wrdreg s5  }
0xab: {  	[dreg:$0x3] =	wrdreg s7  }
0xac: {  	[dreg:$0x4] =	wrdreg $0xC0  }
0xad: {  	_ =	task [dreg:s9], $0x5FFFF  }
0xae: {  	[dreg:$0x1] =	wrdreg $0xFFFFFFFF  }
0xaf: {  	[dreg:$0x0] =	wrdreg $0x60  }
0xb0: {  	[dreg:$0x2] =	wrdreg s24  }
0xb1: {  	[dreg:$0x3] =	wrdreg s18  }
0xb2: {  	[dreg:$0x4] =	wrdreg s2  }
0xb3: {  	[dreg:$0x5] =	wrdreg s4  }
0xb4: {  	[dreg:$0x6] =	wrdreg $0xE1000  }
0xb5: {  	[dreg:$0x7] =	wrdreg $0x9  }
0xb6: {  	_ =	task.clear_ibuf [dreg:s9], $0x8FFFF;
	_ =	strace $0x90000046  }
0xb7: {  	s29 =	simm.s32 $0x9;
	_ =	strace $0x80000048  }
0xb8: {  	_ =	swait.ge [sflag:s29], $0x1  }
0xb9: {  	[sflag:s29] =	ssyncadd.s32 $0xFFFFFFFF  }
0xba: {  	_ =	strace $0x90000048  }
0xbb: {  	_ =	sfence  }
0xbc: {  	s30 =	sld [smem:$0x0];
	_ =	sdelay $0x2  }
0xbd: {  	s31 =	sshll.u32 s1, $0xD;
	s1 =	sshrl.u32 s1, $0x2  }
0xbe: {  	s3 =	sand.u32 $0x4000, s31;
	s1 =	sadd.s32 s1, s30  }
0xbf: {  	s0 =	sor.u32 s3, s0;
	s1 =	sshll.u32 s1, $0x11  }
0xc0: {  	s0 =	sor.u32 s1, s0  }
0xc1: {  	s0 =	sadd.s32 $0x8F2B, s0  }
0xc2: {  	[sflag:s0] =	ssyncadd.remote.s32 $0x1  }
0xc3: {  	_ =	sfence.sel $0xFFFF  }
0xc4: {  	[dreg:$0x0] =	wrdreg $0xFFFFFFFF;
	(pc) =	sbr.abs _section_cstart, $3  }
0xc5: {  	[dreg:$0x1] =	wrdreg $0xFFFFFFFF  }
0xc6: {  	_ =	task.clear_ibuf [dreg:s9], $0x2FFFF;
	_ =	strace $0x9FFFFFFF  }
0xc7: {  	(tm) =	ssettm $0x7FFFFFFF  }
tec
execute0_lowered:
.L_overlay_start_1:
0x0: {  	(tag) =	ssettag $0x1  }
0x1: {  	s0 =	rddreg [dreg:$0x0]  }
0x2: {  	s1 =	rddreg [dreg:$0x2];
	s2 =	srdreg.scid  }
0x3: {  	s5 =	stileid.u32;
	s3 =	rddreg [dreg:$0x4];
	s14 =	simm.s32 $0x9  }
0x4: {  	s15 =	simm.s32 $0x3F00;
	s16 =	simm.s32 $0x6700;
	s17 =	simm.s32 $0x1  }
0x5: {  	s18 =	simm.s32 $0x50;
	s19 =	simm.s32 $0xDF00;
	s20 =	simm.s32 $0xE900  }
0x6: {  	s21 =	simm.s32 $0x8F00;
	s28 =	simm.s32 $0x6;
	s29 =	simm.s32 $0x7  }
0x7: {  	s30 =	simm.s32 $0x8;
	s2 =	sand.u32 $0x1, s2;
	s4 =	sshll.u32 s5, $0x1  }
0x8: {  	s9 =	sshll.u32 s5, $0xA;
	s25 =	smul.u32 $0x2EE00, s5;
	p0 =	sne.s32 s5, $0x0  }
0x9: {  	s6 =	sor.u32 s2, s4;
	s4 =	simm.s32 $0x0;
	s8 =	sshll.u32 s2, $0xC  }
0xa: {  	s9 =	sand.u32 $0x3000, s9;
	s10 =	ssub.s32 $0x2, s2;
	s2 =	smul.u32 $0x17700, s2  }
0xb: {  	s13 =	sshrl.u32 @!p0 s3, $0x3;
	s7 =	smul.u32 $0x1770, s6;
	[smem:$0x7FF] =	sst s4  }
0xc: {  	s8 =	sadd.s32 s8, s0;
	s11 =	smul.u32 $0xBB800, s6;
	s22 =	sshrl.u32 s10, $0x1  }
0xd: {  	s12 =	smul.u32 $0x17700, s6;
	s6 =	sshll.u32 s6, $0x4;
	s31 =	sadd.s32 s25, s1  }
0xe: {  	s25 =	simm.s32 $0xE000;
	_ =	strace $0x80000047;
	s10 =	ssub.s32 s10, s22  }
0xf: {  	s6 =	sand.u32 $0x70, s6;
	s8 =	sadd.s32 $0xFC00, s8;
	s22 =	simm.s32 $0x2  }
0x10: {  	s7 =	sshrl.u32 s7, $0x3;
	s23 =	sshrl.u32 s11, $0x3;
	s24 =	sadd.s32 s1, s12  }
0x11: {  	[dreg:$0x9] =	wrdreg s8;
	s26 =	smax.u32 s10, $0x1;
	s11 =	sadd.s32 s2, s31  }
0x12: {  	s2 =	simm.s32 $0x0;
	s7 =	sadd.s32 s7, s0;
	[dreg:$0x7] =	wrdreg s24  }
.Ltmp0:
0x13: {  	s0 =	sadd.s32 s9, s0;
	[dreg:$0xb] =	wrdreg s26;
	(pc) =	sbr.rel .LBB2_1-.Ltmp0, $4  }
0x14: {  	s24 =	simm.s32 $0x3;
	s7 =	sadd.s32 $0x1E00, s7;
	s0 =	sadd.s32 s6, s0  }
0x15: {  	[dreg:$0x6] =	wrdreg s7;
	s7 =	sadd.s32 s1, s23;
	s0 =	sadd.s32 $0xBC00, s0  }
0x16: {  	s26 =	simm.s32 $0x5;
	s7 =	sadd.s32 $0x500, s7;
	[dreg:$0xa] =	wrdreg s0  }
0x17: {  	v0 =	vimm.f32 $0.0e+00;
	v1 =	vlaneseq.u32;
	v2 =	vimm.f32 $1.000000000e+00;
	s23 =	simm.s32 $0xDF80;
	s0 =	simm.s32 $0xA;
	[dreg:$0x8] =	wrdreg s7  }
.LBB2_6:
0x18: {  	_ =	swait.ge [sflag:s26], $0x2800  }
0x19: {  	[sflag:s26] =	ssyncset.done $0x0  }
0x1a: {  	[sflag:s26] =	ssyncadd.s32 $0xFFFFD800  }
0x1b: {  	_ =	swait.ge [sflag:s28], $0x2800  }
0x1c: {  	[sflag:s28] =	ssyncset.done $0x0  }
0x1d: {  	[sflag:s28] =	ssyncadd.s32 $0xFFFFD800  }
0x1e: {  	_ =	swait.ge [sflag:s29], $0x2800  }
0x1f: {  	[sflag:s29] =	ssyncset.done $0x0  }
0x20: {  	[sflag:s29] =	ssyncadd.s32 $0xFFFFD800  }
0x21: {  	_ =	swait.ge [sflag:s30], $0x2800  }
0x22: {  	[sflag:s30] =	ssyncset.done $0x0  }
0x23: {  	[sflag:s30] =	ssyncadd.s32 $0xFFFFD800  }
0x24: {  	[bflag:$0x0] =	sbarrier.arrive $0xFFFF  }
0x25: {  	s1 =	simm.s32 @!p0 $0x1C0A;
	s5 =	rddreg [dreg:$0x9]  }
0x26: {  	[hbm:s5], [sflag:s1] =	dma.local @!p0 [spmem:s13], $0x1000  }
0x27: {  	s1 =	simm.s32 @!p0 $0xA  }
0x28: {  	_ =	swait.ge @!p0 [sflag:s1], $0x1000  }
0x29: {  	s12 =	simm.s32 $0x80;
	[sflag:s1] =	ssyncset.done @!p0 $0x0  }
0x2a: {  	s6 =	simm.s32 $0x400;
	s10 =	rddreg [dreg:$0xa];
	[sflag:s1] =	ssyncadd.s32 @!p0 $0xFFFFF000  }
0x2b: {  	[hbm4b:s10+s12] =	stream.strided.scatter [tilespmem:s20], [sflag:$0xA], $0x1000, s6, s12, $0x38;
	[tilespmem:$0xF900] =	vst v63  }
0x2c: {  	_ =	swait.ge [sflag:s0], $0x1000  }
0x2d: {  	s2 =	sadd.s32 $0x1, s2;
	s31 =	rddreg [dreg:$0xb]  }
0x2e: {  	p1 =	sne.s32 s2, s31  }
.Ltmp1:
0x2f: {  	_ = 	snop;
	(pc) =	sbr.rel @!p1 .LBB2_7-.Ltmp1, $3  }
0x30: {  	_ =	sdelay $0x1  }
0x31: {  	[sflag:s0] =	ssyncset.done $0x0  }
0x32: {  	[sflag:s0] =	ssyncadd.s32 $0xFFFFF000  }
.LBB2_1:
0x33: {  	s1 =	rddreg [dreg:$0x1]  }
0x34: {  	[tilespmem:s4], [sflag:$0x9] =	stream.linear.gather [hbm4b:s1+s4], $0x2780, $0x38;
	[tilespmem:$0xF900] =	vst v63  }
0x35: {  	s31 =	rddreg [dreg:$0x6];
	s5 =	simm.s32 $0x2780  }
0x36: {  	[tilespmem:s5], [sflag:$0x9] =	stream.linear.gather [hbm4b:s31+s4], $0x1770, $0x38;
	[tilespmem:$0xF900] =	vst v63  }
0x37: {  	s1 =	simm.s32 @!p0 $0x1C0A;
	s5 =	rddreg [dreg:$0x3]  }
0x38: {  	[spmem:s13], [sflag:s1] =	dma.local @!p0 [hbm:s5], $0x1000  }
0x39: {  	s1 =	simm.s32 @!p0 $0xA  }
0x3a: {  	_ =	swait.ge @!p0 [sflag:s1], $0x1000  }
0x3b: {  	[sflag:s1] =	ssyncset.done @!p0 $0x0  }
0x3c: {  	s5 =	simm.s32 $0x400;
	[sflag:s1] =	ssyncadd.s32 @!p0 $0xFFFFF000;
	s1 =	simm.s32 $0x0  }
.LBB2_2:
0x3d: {  	p1 =	sne.s32 s5, $0x3C00;
	[tilespmem:s1+$0xE9F0] =	vst v0  }
0x3e: {  	[tilespmem:s1+$0xE900] =	vst v0  }
0x3f: {  	[tilespmem:s1+$0xE910] =	vst v0  }
0x40: {  	[tilespmem:s1+$0xE920] =	vst v0  }
0x41: {  	[tilespmem:s1+$0xE930] =	vst v0  }
0x42: {  	[tilespmem:s1+$0xE940] =	vst v0  }
0x43: {  	[tilespmem:s1+$0xE950] =	vst v0  }
0x44: {  	[tilespmem:s1+$0xE960] =	vst v0  }
0x45: {  	[tilespmem:s1+$0xE970] =	vst v0  }
0x46: {  	[tilespmem:s1+$0xE980] =	vst v0  }
0x47: {  	[tilespmem:s1+$0xE990] =	vst v0  }
.Ltmp2:
0x48: {  	[tilespmem:s1+$0xE9A0] =	vst v0;
	(pc) =	sbr.rel @p1 .LBB2_2-.Ltmp2, $4  }
0x49: {  	[tilespmem:s1+$0xE9B0] =	vst v0  }
0x4a: {  	[tilespmem:s1+$0xE9C0] =	vst v0  }
0x4b: {  	[tilespmem:s1+$0xE9D0] =	vst v0  }
0x4c: {  	[tilespmem:s1+$0xE9E0] =	vst v0;
	s1 =	sshra.s32 s5, $0x2;
	s5 =	sadd.s32 $0x400, s5  }
0x4d: {  	[tilespmem:s1+$0xE9F0] =	vst v0  }
0x4e: {  	[tilespmem:s1+$0xE900] =	vst v0  }
0x4f: {  	[tilespmem:s1+$0xE910] =	vst v0  }
0x50: {  	[tilespmem:s1+$0xE920] =	vst v0  }
0x51: {  	[tilespmem:s1+$0xE930] =	vst v0  }
0x52: {  	[tilespmem:s1+$0xE940] =	vst v0  }
0x53: {  	[tilespmem:s1+$0xE950] =	vst v0  }
0x54: {  	[tilespmem:s1+$0xE960] =	vst v0  }
0x55: {  	[tilespmem:s1+$0xE970] =	vst v0  }
0x56: {  	[tilespmem:s1+$0xE980] =	vst v0  }
0x57: {  	[tilespmem:s1+$0xE990] =	vst v0  }
0x58: {  	[tilespmem:s1+$0xE9A0] =	vst v0  }
0x59: {  	[tilespmem:s1+$0xE9B0] =	vst v0  }
0x5a: {  	[tilespmem:s1+$0xE9C0] =	vst v0  }
0x5b: {  	[tilespmem:s1+$0xE9D0] =	vst v0  }
0x5c: {  	[tilespmem:s1+$0xE9E0] =	vst v0  }
0x5d: {  	_ =	swait.ge [sflag:s14], $0x2780  }
0x5e: {  	[sflag:s14] =	ssyncset.done $0x0  }
0x5f: {  	[sflag:s14] =	ssyncadd.s32 $0xFFFFD880  }
0x60: {  	_ =	swait.ge [sflag:s14], $0x1770  }
0x61: {  	[sflag:s14] =	ssyncset.done $0x0  }
0x62: {  	[sflag:s14] =	ssyncadd.s32 $0xFFFFE890  }
0x63: {  	[bflag:$0x0] =	sbarrier.arrive $0xFFFF  }
0x64: {  	s12 =	simm.s32 $0x0;
	s9 =	rddreg [dreg:$0x7]  }
0x65: {  	[tilespmem:s15], [sflag:$0x1] =	stream.linear.gather [hbm4b:s9+s12], $0x2800, $0x38;
	[tilespmem:$0xF900] =	vst v63  }
0x66: {  	s31 =	simm.s32 $0x3;
	s1 =	simm.s32 $0x2820;
	s10 =	rddreg [dreg:$0x8]  }
0x67: {  	[tilespmem:s16], [sflag:$0x2] =	stream.linear.gather [hbm4b:s10+s12], $0x2800, $0x38;
	[tilespmem:$0xF900] =	vst v63  }
.LBB2_4:
0x68: {  	_ =	swait.ge [sflag:s17], $0x2800  }
0x69: {  	[sflag:s17] =	ssyncset.done $0x0  }
0x6a: {  	[sflag:s17] =	ssyncadd.s32 $0xFFFFD800  }
0x6b: {  	v3 =	vld [tilespmem:s1+$0xFFFFFF60];
	_ =	sdelay $0x7  }
0x6c: {  	v3 =	vld.idx.msk [tilespmem:v3+s4+$0x0], $0xffff;
	_ =	sdelay $0x4  }
0x6d: {  	[tilespmem:$0xDF00] =	vst v3  }
0x6e: {  	v3 =	vld [tilespmem:s1+$0xFFFFFF70];
	_ =	sdelay $0x7  }
0x6f: {  	v3 =	vld.idx.msk [tilespmem:v3+s4+$0x0], $0xffff;
	_ =	sdelay $0x4  }
0x70: {  	[tilespmem:$0xDF10] =	vst v3  }
0x71: {  	v3 =	vld [tilespmem:s1+$0xFFFFFF80];
	_ =	sdelay $0x7  }
0x72: {  	v3 =	vld.idx.msk [tilespmem:v3+s4+$0x0], $0xffff;
	_ =	sdelay $0x4  }
0x73: {  	[tilespmem:$0xDF20] =	vst v3  }
0x74: {  	v3 =	vld [tilespmem:s1+$0xFFFFFF90];
	_ =	sdelay $0x7  }
0x75: {  	v3 =	vld.idx.msk [tilespmem:v3+s4+$0x0], $0xffff;
	_ =	sdelay $0x4  }
0x76: {  	[tilespmem:$0xDF30] =	vst v3  }
0x77: {  	v3 =	vld [tilespmem:s1+$0xFFFFFFA0];
	_ =	sdelay $0x7  }
0x78: {  	v3 =	vld.idx.msk [tilespmem:v3+s4+$0x0], $0xffff;
	_ =	sdelay $0x4  }
0x79: {  	[tilespmem:$0xDF40] =	vst v3  }
0x7a: {  	[spmem:s3] =	stream.indirect.scatter.add.f32 [tilespmem:s15], [sflag:$0x5], $0x80, s19, s18, $0xb8;
	[tilespmem:$0xF900] =	vst v63  }
0x7b: {  	v3 =	vld [tilespmem:$0xDF00];
	_ =	sdelay $0x4  }
0x7c: {  	v3 =	vshll.u32 v3, $0x4  }
0x7d: {  	v3 =	vor.u32 v1, v3;
	_ =	sdelay $0x4  }
0x7e: {  	[tilespmem:v3+s20+$0x0] =	vst.idx.add.f32.msk $0xffff, v2  }
0x7f: {  	v3 =	vld [tilespmem:$0xDF10];
	_ =	sdelay $0x4  }
0x80: {  	v3 =	vshll.u32 v3, $0x4  }
0x81: {  	v3 =	vor.u32 v1, v3;
	_ =	sdelay $0x4  }
0x82: {  	[tilespmem:v3+s20+$0x0] =	vst.idx.add.f32.msk $0xffff, v2  }
0x83: {  	v3 =	vld [tilespmem:$0xDF20];
	_ =	sdelay $0x4  }
0x84: {  	v3 =	vshll.u32 v3, $0x4  }
0x85: {  	v3 =	vor.u32 v1, v3;
	_ =	sdelay $0x4  }
0x86: {  	[tilespmem:v3+s20+$0x0] =	vst.idx.add.f32.msk $0xffff, v2  }
0x87: {  	v3 =	vld [tilespmem:$0xDF30];
	_ =	sdelay $0x4  }
0x88: {  	v3 =	vshll.u32 v3, $0x4  }
0x89: {  	v3 =	vor.u32 v1, v3;
	_ =	sdelay $0x4  }
0x8a: {  	[tilespmem:v3+s20+$0x0] =	vst.idx.add.f32.msk $0xffff, v2  }
0x8b: {  	v3 =	vld [tilespmem:$0xDF40];
	_ =	sdelay $0x4  }
0x8c: {  	v3 =	vshll.u32 v3, $0x4  }
0x8d: {  	v3 =	vor.u32 v1, v3;
	_ =	sdelay $0x3  }
0x8e: {  	p1 =	seq.s32 s12, $0x0  }
0x8f: {  	s6 =	simm.s32 @!p1 $0x7;
	[tilespmem:v3+s20+$0x0] =	vst.idx.add.f32.msk $0xffff, v2  }
0x90: {  	_ =	swait.ge @!p1 [sflag:s6], $0x2800  }
0x91: {  	s5 =	sadd.s32 s12, s11;
	[sflag:s6] =	ssyncset.done @!p1 $0x0  }
0x92: {  	s10 =	sadd.s32 $0xA00, s5;
	[sflag:s6] =	ssyncadd.s32 @!p1 $0xFFFFD800  }
0x93: {  	[tilespmem:s21], [sflag:$0x3] =	stream.linear.gather [hbm4b:s10+s4], $0x2800, $0x38;
	[tilespmem:$0xF900] =	vst v63  }
0x94: {  	_ =	swait.ge [sflag:s22], $0x2800  }
0x95: {  	[sflag:s22] =	ssyncset.done $0x0  }
0x96: {  	[sflag:s22] =	ssyncadd.s32 $0xFFFFD800  }
0x97: {  	v3 =	vld [tilespmem:s1+$0xFFFFFFB0];
	_ =	sdelay $0x7  }
0x98: {  	v3 =	vld.idx.msk [tilespmem:v3+s4+$0x0], $0xffff;
	_ =	sdelay $0x4  }
0x99: {  	[tilespmem:$0xDF80] =	vst v3  }
0x9a: {  	v3 =	vld [tilespmem:s1+$0xFFFFFFC0];
	_ =	sdelay $0x7  }
0x9b: {  	v3 =	vld.idx.msk [tilespmem:v3+s4+$0x0], $0xffff;
	_ =	sdelay $0x4  }
0x9c: {  	[tilespmem:$0xDF90] =	vst v3  }
0x9d: {  	v3 =	vld [tilespmem:s1+$0xFFFFFFD0];
	_ =	sdelay $0x7  }
0x9e: {  	v3 =	vld.idx.msk [tilespmem:v3+s4+$0x0], $0xffff;
	_ =	sdelay $0x4  }
0x9f: {  	[tilespmem:$0xDFA0] =	vst v3  }
0xa0: {  	v3 =	vld [tilespmem:s1+$0xFFFFFFE0];
	_ =	sdelay $0x7  }
0xa1: {  	v3 =	vld.idx.msk [tilespmem:v3+s4+$0x0], $0xffff;
	_ =	sdelay $0x4  }
0xa2: {  	[tilespmem:$0xDFB0] =	vst v3  }
0xa3: {  	v3 =	vld [tilespmem:s1+$0xFFFFFFF0];
	_ =	sdelay $0x7  }
0xa4: {  	v3 =	vld.idx.msk [tilespmem:v3+s4+$0x0], $0xffff;
	_ =	sdelay $0x4  }
0xa5: {  	[tilespmem:$0xDFC0] =	vst v3  }
0xa6: {  	[spmem:s3] =	stream.indirect.scatter.add.f32 [tilespmem:s16], [sflag:$0x6], $0x80, s23, s18, $0xb8;
	[tilespmem:$0xF900] =	vst v63  }
0xa7: {  	v3 =	vld [tilespmem:$0xDF80];
	_ =	sdelay $0x4  }
0xa8: {  	v3 =	vshll.u32 v3, $0x4  }
0xa9: {  	v3 =	vor.u32 v1, v3;
	_ =	sdelay $0x4  }
0xaa: {  	[tilespmem:v3+s20+$0x0] =	vst.idx.add.f32.msk $0xffff, v2  }
0xab: {  	v3 =	vld [tilespmem:$0xDF90];
	_ =	sdelay $0x4  }
0xac: {  	v3 =	vshll.u32 v3, $0x4  }
0xad: {  	v3 =	vor.u32 v1, v3;
	_ =	sdelay $0x4  }
0xae: {  	[tilespmem:v3+s20+$0x0] =	vst.idx.add.f32.msk $0xffff, v2  }
0xaf: {  	v3 =	vld [tilespmem:$0xDFA0];
	_ =	sdelay $0x4  }
0xb0: {  	v3 =	vshll.u32 v3, $0x4  }
0xb1: {  	v3 =	vor.u32 v1, v3;
	_ =	sdelay $0x4  }
0xb2: {  	[tilespmem:v3+s20+$0x0] =	vst.idx.add.f32.msk $0xffff, v2  }
0xb3: {  	v3 =	vld [tilespmem:$0xDFB0];
	_ =	sdelay $0x4  }
0xb4: {  	v3 =	vshll.u32 v3, $0x4  }
0xb5: {  	v3 =	vor.u32 v1, v3;
	_ =	sdelay $0x4  }
0xb6: {  	[tilespmem:v3+s20+$0x0] =	vst.idx.add.f32.msk $0xffff, v2  }
0xb7: {  	v3 =	vld [tilespmem:$0xDFC0];
	_ =	sdelay $0x4  }
0xb8: {  	v3 =	vshll.u32 v3, $0x4  }
0xb9: {  	v3 =	vor.u32 v1, v3;
	_ =	sdelay $0x1  }
0xba: {  	p1 =	sgt.u32 s31, $0x4A  }
0xbb: {  	p2 =	seq.s32 @!p1 s12, $0x0  }
0xbc: {  	p2 =	por p2, p1  }
0xbd: {  	s6 =	simm.s32 @!p2 $0x8;
	[tilespmem:v3+s20+$0x0] =	vst.idx.add.f32.msk $0xffff, v2  }
0xbe: {  	_ =	swait.ge @!p2 [sflag:s6], $0x2800  }
0xbf: {  	[sflag:s6] =	ssyncset.done @!p2 $0x0  }
0xc0: {  	[sflag:s6] =	ssyncadd.s32 @!p2 $0xFFFFD800;
	s6 =	sadd.s32 @!p1 s12, s11  }
0xc1: {  	s7 =	simm.s32 @!p1 $0x0;
	s8 =	sadd.s32 @!p1 $0xF00, s6;
	s6 =	simm.s32 @!p1 $0xB700  }
0xc2: {  	[tilespmem:s6], [sflag:$0x4] =	stream.linear.gather @!p1 [hbm4b:s8+s7], $0x2800, $0x38;
	[tilespmem:$0xF900] =	vst v63  }
0xc3: {  	_ =	swait.ge [sflag:s24], $0x2800  }
0xc4: {  	[sflag:s24] =	ssyncset.done $0x0  }
0xc5: {  	[sflag:s24] =	ssyncadd.s32 $0xFFFFD800  }
0xc6: {  	v3 =	vld [tilespmem:s1+$0x0];
	_ =	sdelay $0x7  }
0xc7: {  	v3 =	vld.idx.msk [tilespmem:v3+s4+$0x0], $0xffff;
	_ =	sdelay $0x4  }
0xc8: {  	[tilespmem:$0xE000] =	vst v3  }
0xc9: {  	v3 =	vld [tilespmem:s1+$0x10];
	_ =	sdelay $0x7  }
0xca: {  	v3 =	vld.idx.msk [tilespmem:v3+s4+$0x0], $0xffff;
	_ =	sdelay $0x4  }
0xcb: {  	[tilespmem:$0xE010] =	vst v3  }
0xcc: {  	v3 =	vld [tilespmem:s1+$0x20];
	_ =	sdelay $0x7  }
0xcd: {  	v3 =	vld.idx.msk [tilespmem:v3+s4+$0x0], $0xffff;
	_ =	sdelay $0x4  }
0xce: {  	[tilespmem:$0xE020] =	vst v3  }
0xcf: {  	v3 =	vld [tilespmem:s1+$0x30];
	_ =	sdelay $0x7  }
0xd0: {  	v3 =	vld.idx.msk [tilespmem:v3+s4+$0x0], $0xffff;
	_ =	sdelay $0x4  }
0xd1: {  	[tilespmem:$0xE030] =	vst v3  }
0xd2: {  	v3 =	vld [tilespmem:s1+$0x40];
	_ =	sdelay $0x7  }
0xd3: {  	v3 =	vld.idx.msk [tilespmem:v3+s4+$0x0], $0xffff;
	_ =	sdelay $0x4  }
0xd4: {  	[tilespmem:$0xE040] =	vst v3  }
0xd5: {  	[spmem:s3] =	stream.indirect.scatter.add.f32 [tilespmem:s21], [sflag:$0x7], $0x80, s25, s18, $0xb8;
	[tilespmem:$0xF900] =	vst v63  }
0xd6: {  	v3 =	vld [tilespmem:$0xE000];
	_ =	sdelay $0x4  }
0xd7: {  	v3 =	vshll.u32 v3, $0x4  }
0xd8: {  	v3 =	vor.u32 v1, v3;
	_ =	sdelay $0x4  }
0xd9: {  	[tilespmem:v3+s20+$0x0] =	vst.idx.add.f32.msk $0xffff, v2  }
0xda: {  	v3 =	vld [tilespmem:$0xE010];
	_ =	sdelay $0x4  }
0xdb: {  	v3 =	vshll.u32 v3, $0x4  }
0xdc: {  	v3 =	vor.u32 v1, v3;
	_ =	sdelay $0x4  }
0xdd: {  	[tilespmem:v3+s20+$0x0] =	vst.idx.add.f32.msk $0xffff, v2  }
0xde: {  	v3 =	vld [tilespmem:$0xE020];
	_ =	sdelay $0x4  }
0xdf: {  	v3 =	vshll.u32 v3, $0x4  }
0xe0: {  	v3 =	vor.u32 v1, v3;
	_ =	sdelay $0x4  }
0xe1: {  	[tilespmem:v3+s20+$0x0] =	vst.idx.add.f32.msk $0xffff, v2  }
0xe2: {  	v3 =	vld [tilespmem:$0xE030];
	_ =	sdelay $0x4  }
0xe3: {  	v3 =	vshll.u32 v3, $0x4  }
0xe4: {  	v3 =	vor.u32 v1, v3;
	_ =	sdelay $0x4  }
0xe5: {  	[tilespmem:v3+s20+$0x0] =	vst.idx.add.f32.msk $0xffff, v2  }
0xe6: {  	v3 =	vld [tilespmem:$0xE040];
	_ =	sdelay $0x4  }
0xe7: {  	v3 =	vshll.u32 v3, $0x4  }
0xe8: {  	v3 =	vor.u32 v1, v3;
	_ =	sdelay $0x3  }
0xe9: {  	p2 =	seq.s32 s12, $0x16800  }
0xea: {  	s8 =	simm.s32 @!p2 $0x5;
	[tilespmem:v3+s20+$0x0] =	vst.idx.add.f32.msk $0xffff, v2  }
0xeb: {  	_ =	swait.ge @!p2 [sflag:s8], $0x2800  }
0xec: {  	[sflag:s8] =	ssyncset.done @!p2 $0x0  }
0xed: {  	[sflag:s8] =	ssyncadd.s32 @!p2 $0xFFFFD800;
	s8 =	sadd.s32 @!p2 s12, s11  }
0xee: {  	s9 =	simm.s32 @!p2 $0x0;
	s10 =	simm.s32 @!p2 $0x3F00;
	s8 =	sadd.s32 @!p2 $0x1400, s8  }
0xef: {  	[tilespmem:s10], [sflag:$0x1] =	stream.linear.gather @!p2 [hbm4b:s8+s9], $0x2800, $0x38;
	[tilespmem:$0xF900] =	vst v63  }
0xf0: {  	s8 =	simm.s32 @!p1 $0x4  }
0xf1: {  	_ =	swait.ge @!p1 [sflag:s8], $0x2800  }
0xf2: {  	[sflag:s8] =	ssyncset.done @!p1 $0x0  }
0xf3: {  	[sflag:s8] =	ssyncadd.s32 @!p1 $0xFFFFD800  }
0xf4: {  	v3 =	vld @!p1 [tilespmem:s1+$0x50];
	_ =	sdelay $0x7  }
0xf5: {  	v3 =	vld.idx.msk @!p1 [tilespmem:v3+s7+$0x0], $0xffff;
	_ =	sdelay $0x4  }
0xf6: {  	[tilespmem:$0xE080] =	vst @!p1 v3  }
0xf7: {  	v3 =	vld @!p1 [tilespmem:s1+$0x60];
	_ =	sdelay $0x7  }
0xf8: {  	v3 =	vld.idx.msk @!p1 [tilespmem:v3+s7+$0x0], $0xffff;
	_ =	sdelay $0x4  }
0xf9: {  	[tilespmem:$0xE090] =	vst @!p1 v3  }
0xfa: {  	v3 =	vld @!p1 [tilespmem:s1+$0x70];
	_ =	sdelay $0x7  }
0xfb: {  	v3 =	vld.idx.msk @!p1 [tilespmem:v3+s7+$0x0], $0xffff;
	_ =	sdelay $0x4  }
0xfc: {  	[tilespmem:$0xE0A0] =	vst @!p1 v3  }
0xfd: {  	v3 =	vld @!p1 [tilespmem:s1+$0x80];
	_ =	sdelay $0x7  }
0xfe: {  	v3 =	vld.idx.msk @!p1 [tilespmem:v3+s7+$0x0], $0xffff;
	_ =	sdelay $0x4  }
0xff: {  	[tilespmem:$0xE0B0] =	vst @!p1 v3  }
0x100: {  	v3 =	vld @!p1 [tilespmem:s1+$0x90];
	_ =	sdelay $0x7  }
0x101: {  	v3 =	vld.idx.msk @!p1 [tilespmem:v3+s7+$0x0], $0xffff;
	_ =	sdelay $0x4  }
0x102: {  	s8 =	simm.s32 @!p1 $0xE080;
	s7 =	simm.s32 @!p1 $0x50;
	[tilespmem:$0xE0C0] =	vst @!p1 v3  }
0x103: {  	[spmem:s3] =	stream.indirect.scatter.add.f32 @!p1 [tilespmem:s6], [sflag:$0x8], $0x80, s8, s7, $0xb8;
	[tilespmem:$0xF900] =	vst v63  }
0x104: {  	v3 =	vld @!p1 [tilespmem:$0xE080];
	_ =	sdelay $0x4  }
0x105: {  	v4 =	vlaneseq.u32 @!p1;
	v3 =	vshll.u32 @!p1 v3, $0x4  }
0x106: {  	v3 =	vor.u32 @!p1 v4, v3;
	_ =	sdelay $0x3  }
0x107: {  	v5 =	vimm.f32 @!p1 $1.000000000e+00;
	s6 =	simm.s32 @!p1 $0xE900  }
0x108: {  	[tilespmem:v3+s6+$0x0] =	vst.idx.add.f32.msk @!p1 $0xffff, v5  }
0x109: {  	v3 =	vld @!p1 [tilespmem:$0xE090];
	_ =	sdelay $0x4  }
0x10a: {  	v3 =	vshll.u32 @!p1 v3, $0x4  }
0x10b: {  	v3 =	vor.u32 @!p1 v4, v3;
	_ =	sdelay $0x4  }
0x10c: {  	[tilespmem:v3+s6+$0x0] =	vst.idx.add.f32.msk @!p1 $0xffff, v5  }
0x10d: {  	v3 =	vld @!p1 [tilespmem:$0xE0A0];
	_ =	sdelay $0x4  }
0x10e: {  	v3 =	vshll.u32 @!p1 v3, $0x4  }
0x10f: {  	v3 =	vor.u32 @!p1 v4, v3;
	_ =	sdelay $0x4  }
0x110: {  	[tilespmem:v3+s6+$0x0] =	vst.idx.add.f32.msk @!p1 $0xffff, v5  }
0x111: {  	v3 =	vld @!p1 [tilespmem:$0xE0B0];
	_ =	sdelay $0x4  }
0x112: {  	v3 =	vshll.u32 @!p1 v3, $0x4  }
0x113: {  	v3 =	vor.u32 @!p1 v4, v3;
	_ =	sdelay $0x4  }
0x114: {  	[tilespmem:v3+s6+$0x0] =	vst.idx.add.f32.msk @!p1 $0xffff, v5  }
0x115: {  	v3 =	vld @!p1 [tilespmem:$0xE0C0];
	_ =	sdelay $0x4  }
0x116: {  	v3 =	vshll.u32 @!p1 v3, $0x4  }
0x117: {  	v3 =	vor.u32 @!p1 v4, v3  }
.Ltmp3:
0x118: {  	_ = 	snop;
	(pc) =	sbr.rel @p2 .LBB2_6-.Ltmp3, $2  }
0x119: {  	_ =	sdelay $0x2  }
0x11a: {  	[tilespmem:v3+s6+$0x0] =	vst.idx.add.f32.msk @!p1 $0xffff, v5  }
.Ltmp4:
0x11b: {  	(pc) =	sbr.rel .LBB2_4-.Ltmp4, $4  }
0x11c: {  	_ =	swait.ge [sflag:s28], $0x2800  }
0x11d: {  	s5 =	sadd.s32 $0x1900, s5;
	s12 =	sadd.s32 $0x1400, s12;
	[sflag:s28] =	ssyncset.done $0x0  }
0x11e: {  	s31 =	sadd.s32 $0x4, s31;
	s1 =	sadd.s32 $0x140, s1;
	[sflag:s28] =	ssyncadd.s32 $0xFFFFD800  }
0x11f: {  	[tilespmem:s16], [sflag:$0x2] =	stream.linear.gather [hbm4b:s5+s4], $0x2800, $0x38;
	[tilespmem:$0xF900] =	vst v63  }
.LBB2_7:
0x120: {  	_ =	sfence.sel $0x180000  }
0x121: {  	[bflag:$0x0] =	sbarrier.arrive $0xFFFF  }
0x122: {  	_ =	strace $0x90000047  }
0x123: {  	[bflag:$0x2] =	sbarrier.arrive $0xFFFF  }
0x124: {  	s0 =	rddreg [dreg:$0x5]  }
0x125: {  	s0 =	sadd.s32 @!p0 $0x100000, s0  }
0x126: {  	[sflag:s0] =	ssyncadd.tile.s32 @!p0 $0x1;
	_ =	shalt  }
.Lfunc_end2:
_tile_overlayer_lowered:
.L_overlay_start_2:
0x127: {  	(tag) =	ssettag $0x2  }
0x128: {  	s0 =	rddreg [dreg:$0x0];
	s2 =	stileid.u32  }
0x129: {  	s1 =	rddreg [dreg:$0x1];
	p0 =	sne.s32 s2, $0x0  }
0x12a: {  	s3 =	rddreg [dreg:$0x2];
	[bflag:$0x3] =	sbarrier.arrive $0xFFFF;
	s2 =	simm.s32 @!p0 $0x1C0A  }
0x12b: {  	[timem:s3], [sflag:s2] =	dma.local @!p0 [hbm:s0], s1  }
0x12c: {  	s0 =	simm.s32 @!p0 $0xA  }
0x12d: {  	_ =	swait.ge @!p0 [sflag:s0], s1  }
0x12e: {  	s1 =	ssub.s32 @!p0 $0x0, s1;
	[sflag:s0] =	ssyncset.done @!p0 $0x0  }
0x12f: {  	[sflag:s0] =	ssyncadd.s32 @!p0 s1  }
0x130: {  	[bflag:$0x3] =	sbarrier.arrive $0xFFFF  }
0x131: {  	_ =	shalt  }

</sc_bundles>
